<compile_context>
chip_gen: v7x
topology: tpu7x:2x2x1
jax: 0.10.2.dev20260603
libtpu: 0.0.44.dev20260713+nightly
codegen_flags: <defaults>
</compile_context>

<pallas_src>
import functools

import jax
import jax.numpy as jnp
from jax import lax
from jax.experimental import pallas as pl
from jax.experimental.pallas import tpu as pltpu
from jax.experimental.pallas import tpu_sc as plsc

VOCAB = 100000
D = 128
NUM_CTX = 5
B = 4096
NW = 32
B_PER_W = B // NW
L = 16
NCHUNK = D // L

_CHUNK_READY_B = [
    -(-(c * B_PER_W - (NUM_CTX - 1)) // NUM_CTX) for c in range(1, NUM_CTX)
]


def _sc_body(tgt_idx_hbm, ctx_idx_hbm, wt_hbm, wc_hbm, out_hbm,
             idx_t, idx_c, te, ce, matv, out_v, sem_t, *sem_c):
    cid = lax.axis_index("c")
    sid = lax.axis_index("s")
    wid = sid * 2 + cid
    base = wid * B_PER_W

    pltpu.sync_copy(tgt_idx_hbm.at[pl.ds(base, B_PER_W)], idx_t)
    pltpu.sync_copy(
        ctx_idx_hbm.at[pl.ds(base * NUM_CTX, B_PER_W * NUM_CTX)], idx_c)

    cp_t = pltpu.make_async_copy(wt_hbm.at[idx_t], te, sem_t)
    cp_c = [
        pltpu.make_async_copy(
            wc_hbm.at[idx_c.at[pl.ds(c * B_PER_W, B_PER_W)]],
            ce.at[pl.ds(c * B_PER_W, B_PER_W)],
            sem_c[c],
        )
        for c in range(NUM_CTX)
    ]
    cp_t.start()
    cp_c[0].start()
    cp_t.wait()
    cp_c[0].wait()
    cp_c[1].start()
    cp_c[2].start()

    UA = 2

    def body_a(it, carry):
        for c in range(1, NUM_CTX):
            @pl.when(it == _CHUNK_READY_B[c - 1] // UA)
            def _wait():
                cp_c[c].wait()
                if c + 2 < NUM_CTX:
                    cp_c[c + 2].start()
        for u in range(UA):
            b = it * UA + u
            tch = [te[b, pl.ds(k * L, L)] for k in range(NCHUNK)]
            for j in range(NUM_CTX):
                row = b * NUM_CTX + j
                prod = [ce[row, pl.ds(k * L, L)] * tch[k]
                        for k in range(NCHUNK)]
                while len(prod) > 1:
                    prod = [prod[2 * m] + prod[2 * m + 1]
                            for m in range(len(prod) // 2)]
                matv[pl.ds((j * B_PER_W + b) * L, L)] = prod[0]
        return carry

    lax.fori_loop(0, B_PER_W // UA, body_a, 0)

    lanes = lax.iota(jnp.int32, L)
    cols = [lanes * L + d for d in range(L)]
    BLK = L * L

    def body_b(g, carry):
        blk = matv.at[pl.ds(g * BLK, BLK)]
        acc = [plsc.load_gather(blk, [cols[d]]) for d in range(L)]
        while len(acc) > 1:
            acc = [acc[2 * m] + acc[2 * m + 1] for m in range(len(acc) // 2)]
        s = acc[0]
        bvec = ((g & 7) << 4) + lanes
        jvec = jnp.zeros((L,), jnp.int32) + (g >> 3)
        plsc.store_scatter(out_v, [bvec, jvec], s)
        return carry

    lax.fori_loop(0, (B_PER_W * NUM_CTX) // L, body_b, 0)

    pltpu.sync_copy(out_v, out_hbm.at[pl.ds(base, B_PER_W)])


@jax.jit
def _act2vec_sc(tgt_idx, ctx_idx, W_target, W_context):
    mesh = plsc.VectorSubcoreMesh(core_axis_name="c", subcore_axis_name="s")
    kern = functools.partial(
        pl.kernel,
        mesh=mesh,
        out_type=jax.ShapeDtypeStruct((B, NUM_CTX), jnp.float32),
        scratch_types=[
            pltpu.VMEM((B_PER_W,), jnp.int32),
            pltpu.VMEM((B_PER_W * NUM_CTX,), jnp.int32),
            pltpu.VMEM((B_PER_W, D), jnp.float32),
            pltpu.VMEM((NUM_CTX * B_PER_W, D), jnp.float32),
            pltpu.VMEM((B_PER_W * NUM_CTX * L,), jnp.float32),
            pltpu.VMEM((B_PER_W, NUM_CTX), jnp.float32),
            pltpu.SemaphoreType.DMA,
            pltpu.SemaphoreType.DMA,
            pltpu.SemaphoreType.DMA,
            pltpu.SemaphoreType.DMA,
            pltpu.SemaphoreType.DMA,
            pltpu.SemaphoreType.DMA,
        ],
        compiler_params=pltpu.CompilerParams(
            needs_layout_passes=False, use_tc_tiling_on_sc=False),
    )(_sc_body)
    return kern(tgt_idx, ctx_idx, W_target, W_context)


def kernel(target, context, W_target, W_context):
    tgt_idx = target.reshape(B).astype(jnp.int32)
    ctx_idx = context.reshape(B * NUM_CTX).astype(jnp.int32)
    return _act2vec_sc(tgt_idx, ctx_idx, W_target, W_context)

# --- scband reference (transcript-rebuilt; emitter-appended) ---
"""Pipeline reference for scband-act2-vec-8993661518157 (READ-ONLY COPY).

The authoritative reference and input builder live on the scoring server;
editing this copy changes nothing except your own understanding.
"""

import jax, jax.numpy as jnp
import numpy as np

VOCAB_SIZE = 100000
EMBED_DIM = 128
NUM_NS = 4
BATCH = 4096


def setup_inputs(seed: int = 0) -> dict:
    key = jax.random.key(seed)
    k1, k2, k3, k4 = jax.random.split(key, 4)
    target = jax.random.randint(k1, (BATCH, 1), 0, VOCAB_SIZE)
    context = jax.random.randint(k2, (BATCH, NUM_NS + 1, 1), 0, VOCAB_SIZE)
    W_target = jax.random.normal(k3, (VOCAB_SIZE, EMBED_DIM), dtype=jnp.float32) * 0.05
    W_context = jax.random.normal(k4, (VOCAB_SIZE, EMBED_DIM), dtype=jnp.float32) * 0.05
    return {"target": target, "context": context, "W_target": W_target, "W_context": W_context}


def reference(target, context, W_target, W_context):
    # target_embedding lookup: [B, 1] -> [B, 1, D]
    we = jnp.take(W_target, target, axis=0)
    # context_embedding lookup: [B, num_ns+1, 1] -> [B, num_ns+1, 1, D]
    ce = jnp.take(W_context, context, axis=0)
    # Keras Dot(axes=(3, 2)) == batch_dot(ce, we, axes=(3, 2)) -> [B, num_ns+1, 1, 1]
    dots = jnp.einsum('bxyd,bzd->bxyz', ce, we)
    # Flatten -> [B, num_ns+1]
    return dots.reshape(dots.shape[0], -1)

if __name__ == "__main__":
    import jax
    _d = setup_inputs()
    print(jax.jit(kernel)(*tuple(_d.values())))

</pallas_src>

<mosaic_0001>
#map = affine_map<(d0, d1) -> (0)>
#map1 = affine_map<(d0, d1) -> (0, 0)>
module attributes {stable_mosaic.version = 14 : i64} {
  func.func @_sc_body(%arg0: i32, %arg1: i32, %arg2: memref<4096xi32, #tpu.memory_space<hbm>>, %arg3: memref<20480xi32, #tpu.memory_space<hbm>>, %arg4: memref<100000x128xf32, #tpu.memory_space<hbm>>, %arg5: memref<100000x128xf32, #tpu.memory_space<hbm>>, %arg6: memref<4096x5xf32, #tpu.memory_space<hbm>>, %arg7: memref<128xi32, #tpu.memory_space<vmem>>, %arg8: memref<640xi32, #tpu.memory_space<vmem>>, %arg9: memref<128x128xf32, #tpu.memory_space<vmem>>, %arg10: memref<640x128xf32, #tpu.memory_space<vmem>>, %arg11: memref<10240xf32, #tpu.memory_space<vmem>>, %arg12: memref<128x5xf32, #tpu.memory_space<vmem>>, %arg13: memref<!tpu.dma_semaphore, #tpu.memory_space<semaphore_mem>>, %arg14: memref<!tpu.dma_semaphore, #tpu.memory_space<semaphore_mem>>, %arg15: memref<!tpu.dma_semaphore, #tpu.memory_space<semaphore_mem>>, %arg16: memref<!tpu.dma_semaphore, #tpu.memory_space<semaphore_mem>>, %arg17: memref<!tpu.dma_semaphore, #tpu.memory_space<semaphore_mem>>, %arg18: memref<!tpu.dma_semaphore, #tpu.memory_space<semaphore_mem>>) attributes {dimension_semantics = [#tpu.dimension_semantics<core_parallel>, #tpu.dimension_semantics<subcore_parallel>], iteration_bounds = array<i64: 2, 16>, scalar_prefetch = 0 : i64, scratch_operands = 12 : i64, tpu.core_type = #tpu.core_type<sc_vector_subcore>, window_params = [{transform_indices = #map}, {transform_indices = #map}, {transform_indices = #map1}, {transform_indices = #map1}, {transform_indices = #map1}]} {
    %mul3A = arith.constant 2 : i32
    %mul3A_0 = arith.muli %arg1, %mul3A : i32
    %add3A = arith.addi %mul3A_0, %arg0 : i32
    %mul3A_1 = arith.constant 128 : i32
    %mul3A_2 = arith.muli %add3A, %mul3A_1 : i32
    "tpu.region"() ({
      %run_scoped3A = tpu.sem_alloc : memref<!tpu.dma_semaphore, #tpu.memory_space<semaphore_mem>>
      %dma_start3A_148 = tpu.memref_slice %arg2[%mul3A_2] : memref<4096xi32, #tpu.memory_space<hbm>> -> memref<128xi32, #tpu.memory_space<hbm>>
      %dma_start3A_149 = tpu.memref_slice %arg2[%mul3A_2] : memref<4096xi32, #tpu.memory_space<hbm>> -> memref<128xi32, #tpu.memory_space<hbm>>
      tpu.enqueue_dma source(%dma_start3A_149 : memref<128xi32, #tpu.memory_space<hbm>>) target(%arg7 : memref<128xi32, #tpu.memory_space<vmem>>) target_semaphore(%run_scoped3A : memref<!tpu.dma_semaphore, #tpu.memory_space<semaphore_mem>>)
      %dma_wait3A_150 = tpu.memref_slice %arg2[%mul3A_2] : memref<4096xi32, #tpu.memory_space<hbm>> -> memref<128xi32, #tpu.memory_space<hbm>>
      %dma_wait3A_151 = tpu.memref_slice %arg2[%mul3A_2] : memref<4096xi32, #tpu.memory_space<hbm>> -> memref<128xi32, #tpu.memory_space<hbm>>
      tpu.wait_dma2 semaphore(%run_scoped3A : memref<!tpu.dma_semaphore, #tpu.memory_space<semaphore_mem>>) src(%dma_wait3A_151 : memref<128xi32, #tpu.memory_space<hbm>>) dst(%arg7 : memref<128xi32, #tpu.memory_space<vmem>>)
      tpu.yield
    }) : () -> ()
    %mul3A_3 = arith.constant 5 : i32
    %mul3A_4 = arith.muli %mul3A_2, %mul3A_3 : i32
    "tpu.region"() ({
      %run_scoped3A = tpu.sem_alloc : memref<!tpu.dma_semaphore, #tpu.memory_space<semaphore_mem>>
      %dma_start3A_148 = tpu.memref_slice %arg3[%mul3A_4] : memref<20480xi32, #tpu.memory_space<hbm>> -> memref<640xi32, #tpu.memory_space<hbm>>
      %dma_start3A_149 = tpu.memref_slice %arg3[%mul3A_4] : memref<20480xi32, #tpu.memory_space<hbm>> -> memref<640xi32, #tpu.memory_space<hbm>>
      tpu.enqueue_dma source(%dma_start3A_149 : memref<640xi32, #tpu.memory_space<hbm>>) target(%arg8 : memref<640xi32, #tpu.memory_space<vmem>>) target_semaphore(%run_scoped3A : memref<!tpu.dma_semaphore, #tpu.memory_space<semaphore_mem>>)
      %dma_wait3A_150 = tpu.memref_slice %arg3[%mul3A_4] : memref<20480xi32, #tpu.memory_space<hbm>> -> memref<640xi32, #tpu.memory_space<hbm>>
      %dma_wait3A_151 = tpu.memref_slice %arg3[%mul3A_4] : memref<20480xi32, #tpu.memory_space<hbm>> -> memref<640xi32, #tpu.memory_space<hbm>>
      tpu.wait_dma2 semaphore(%run_scoped3A : memref<!tpu.dma_semaphore, #tpu.memory_space<semaphore_mem>>) src(%dma_wait3A_151 : memref<640xi32, #tpu.memory_space<hbm>>) dst(%arg8 : memref<640xi32, #tpu.memory_space<vmem>>)
      tpu.yield
    }) : () -> ()
    %dma_start3A = arith.constant 0 : i32
    %dma_start3A_5 = arith.constant 0 : i32
    %dma_start3A_6 = tpu.memref_slice %arg4[%dma_start3A, %dma_start3A_5] : memref<100000x128xf32, #tpu.memory_space<hbm>> -> memref<100000x128xf32, #tpu.memory_space<hbm>>
    tpu.enqueue_indirect_dma source(%dma_start3A_6 : memref<100000x128xf32, #tpu.memory_space<hbm>>) target(%arg9 : memref<128x128xf32, #tpu.memory_space<vmem>>) offsets(%arg7 : memref<128xi32, #tpu.memory_space<vmem>>) semaphore(%arg13 : memref<!tpu.dma_semaphore, #tpu.memory_space<semaphore_mem>>)
    %dma_start3A_7 = arith.constant 0 : i32
    %dma_start3A_8 = arith.constant 0 : i32
    %dma_start3A_9 = tpu.memref_slice %arg10[%dma_start3A_7, %dma_start3A_8] : memref<640x128xf32, #tpu.memory_space<vmem>> -> memref<128x128xf32, #tpu.memory_space<vmem>>
    %dma_start3A_10 = arith.constant 0 : i32
    %dma_start3A_11 = tpu.memref_slice %arg8[%dma_start3A_10] : memref<640xi32, #tpu.memory_space<vmem>> -> memref<128xi32, #tpu.memory_space<vmem>>
    %dma_start3A_12 = arith.constant 0 : i32
    %dma_start3A_13 = arith.constant 0 : i32
    %dma_start3A_14 = tpu.memref_slice %arg5[%dma_start3A_12, %dma_start3A_13] : memref<100000x128xf32, #tpu.memory_space<hbm>> -> memref<100000x128xf32, #tpu.memory_space<hbm>>
    tpu.enqueue_indirect_dma source(%dma_start3A_14 : memref<100000x128xf32, #tpu.memory_space<hbm>>) target(%dma_start3A_9 : memref<128x128xf32, #tpu.memory_space<vmem>>) offsets(%dma_start3A_11 : memref<128xi32, #tpu.memory_space<vmem>>) semaphore(%arg14 : memref<!tpu.dma_semaphore, #tpu.memory_space<semaphore_mem>>)
    %dma_wait3A = arith.constant 0 : i32
    %dma_wait3A_15 = arith.constant 0 : i32
    %dma_wait3A_16 = tpu.memref_slice %arg4[%dma_wait3A, %dma_wait3A_15] : memref<100000x128xf32, #tpu.memory_space<hbm>> -> memref<100000x128xf32, #tpu.memory_space<hbm>>
    tpu.wait_indirect_dma semaphore(%arg13 : memref<!tpu.dma_semaphore, #tpu.memory_space<semaphore_mem>>) src(%dma_wait3A_16 : memref<100000x128xf32, #tpu.memory_space<hbm>>) dst(%arg9 : memref<128x128xf32, #tpu.memory_space<vmem>>)
    %dma_wait3A_17 = arith.constant 0 : i32
    %dma_wait3A_18 = arith.constant 0 : i32
    %dma_wait3A_19 = tpu.memref_slice %arg10[%dma_wait3A_17, %dma_wait3A_18] : memref<640x128xf32, #tpu.memory_space<vmem>> -> memref<128x128xf32, #tpu.memory_space<vmem>>
    %dma_wait3A_20 = arith.constant 0 : i32
    %dma_wait3A_21 = tpu.memref_slice %arg8[%dma_wait3A_20] : memref<640xi32, #tpu.memory_space<vmem>> -> memref<128xi32, #tpu.memory_space<vmem>>
    %dma_wait3A_22 = arith.constant 0 : i32
    %dma_wait3A_23 = arith.constant 0 : i32
    %dma_wait3A_24 = tpu.memref_slice %arg5[%dma_wait3A_22, %dma_wait3A_23] : memref<100000x128xf32, #tpu.memory_space<hbm>> -> memref<100000x128xf32, #tpu.memory_space<hbm>>
    tpu.wait_indirect_dma semaphore(%arg14 : memref<!tpu.dma_semaphore, #tpu.memory_space<semaphore_mem>>) src(%dma_wait3A_24 : memref<100000x128xf32, #tpu.memory_space<hbm>>) dst(%dma_wait3A_19 : memref<128x128xf32, #tpu.memory_space<vmem>>)
    %dma_start3A_25 = arith.constant 128 : i32
    %dma_start3A_26 = arith.constant 0 : i32
    %dma_start3A_27 = tpu.memref_slice %arg10[%dma_start3A_25, %dma_start3A_26] : memref<640x128xf32, #tpu.memory_space<vmem>> -> memref<128x128xf32, #tpu.memory_space<vmem>>
    %dma_start3A_28 = arith.constant 128 : i32
    %dma_start3A_29 = tpu.memref_slice %arg8[%dma_start3A_28] : memref<640xi32, #tpu.memory_space<vmem>> -> memref<128xi32, #tpu.memory_space<vmem>>
    %dma_start3A_30 = arith.constant 0 : i32
    %dma_start3A_31 = arith.constant 0 : i32
    %dma_start3A_32 = tpu.memref_slice %arg5[%dma_start3A_30, %dma_start3A_31] : memref<100000x128xf32, #tpu.memory_space<hbm>> -> memref<100000x128xf32, #tpu.memory_space<hbm>>
    tpu.enqueue_indirect_dma source(%dma_start3A_32 : memref<100000x128xf32, #tpu.memory_space<hbm>>) target(%dma_start3A_27 : memref<128x128xf32, #tpu.memory_space<vmem>>) offsets(%dma_start3A_29 : memref<128xi32, #tpu.memory_space<vmem>>) semaphore(%arg15 : memref<!tpu.dma_semaphore, #tpu.memory_space<semaphore_mem>>)
    %dma_start3A_33 = arith.constant 256 : i32
    %dma_start3A_34 = arith.constant 0 : i32
    %dma_start3A_35 = tpu.memref_slice %arg10[%dma_start3A_33, %dma_start3A_34] : memref<640x128xf32, #tpu.memory_space<vmem>> -> memref<128x128xf32, #tpu.memory_space<vmem>>
    %dma_start3A_36 = arith.constant 256 : i32
    %dma_start3A_37 = tpu.memref_slice %arg8[%dma_start3A_36] : memref<640xi32, #tpu.memory_space<vmem>> -> memref<128xi32, #tpu.memory_space<vmem>>
    %dma_start3A_38 = arith.constant 0 : i32
    %dma_start3A_39 = arith.constant 0 : i32
    %dma_start3A_40 = tpu.memref_slice %arg5[%dma_start3A_38, %dma_start3A_39] : memref<100000x128xf32, #tpu.memory_space<hbm>> -> memref<100000x128xf32, #tpu.memory_space<hbm>>
    tpu.enqueue_indirect_dma source(%dma_start3A_40 : memref<100000x128xf32, #tpu.memory_space<hbm>>) target(%dma_start3A_35 : memref<128x128xf32, #tpu.memory_space<vmem>>) offsets(%dma_start3A_37 : memref<128xi32, #tpu.memory_space<vmem>>) semaphore(%arg16 : memref<!tpu.dma_semaphore, #tpu.memory_space<semaphore_mem>>)
    %scan3A = arith.constant 0 : i32
    %scan3A_41 = arith.constant 0 : i32
    %scan3A_42 = arith.constant 64 : i32
    %scan3A_43 = arith.addi %scan3A_41, %scan3A_42 : i32
    %scan3A_44 = arith.constant 1 : i32
    scf.for %scan3A_148 = %scan3A_41 to %scan3A_43 step %scan3A_44  : i32 {
      %eq3A = arith.constant 12 : i32
      %eq3A_149 = arith.cmpi eq, %scan3A_148, %eq3A : i32
      %convert_element_type3A = arith.extui %eq3A_149 : i1 to i32
      %cond3A = arith.constant 0 : i32
      %cond3A_150 = arith.cmpi ne, %convert_element_type3A, %cond3A : i32
      scf.if %cond3A_150 {
        %dma_wait3A_710 = arith.constant 128 : i32
        %dma_wait3A_711 = arith.constant 0 : i32
        %dma_wait3A_712 = tpu.memref_slice %arg10[%dma_wait3A_710, %dma_wait3A_711] : memref<640x128xf32, #tpu.memory_space<vmem>> -> memref<128x128xf32, #tpu.memory_space<vmem>>
        %dma_wait3A_713 = arith.constant 128 : i32
        %dma_wait3A_714 = tpu.memref_slice %arg8[%dma_wait3A_713] : memref<640xi32, #tpu.memory_space<vmem>> -> memref<128xi32, #tpu.memory_space<vmem>>
        %dma_wait3A_715 = arith.constant 0 : i32
        %dma_wait3A_716 = arith.constant 0 : i32
        %dma_wait3A_717 = tpu.memref_slice %arg5[%dma_wait3A_715, %dma_wait3A_716] : memref<100000x128xf32, #tpu.memory_space<hbm>> -> memref<100000x128xf32, #tpu.memory_space<hbm>>
        tpu.wait_indirect_dma semaphore(%arg15 : memref<!tpu.dma_semaphore, #tpu.memory_space<semaphore_mem>>) src(%dma_wait3A_717 : memref<100000x128xf32, #tpu.memory_space<hbm>>) dst(%dma_wait3A_712 : memref<128x128xf32, #tpu.memory_space<vmem>>)
        %dma_start3A_718 = arith.constant 384 : i32
        %dma_start3A_719 = arith.constant 0 : i32
        %dma_start3A_720 = tpu.memref_slice %arg10[%dma_start3A_718, %dma_start3A_719] : memref<640x128xf32, #tpu.memory_space<vmem>> -> memref<128x128xf32, #tpu.memory_space<vmem>>
        %dma_start3A_721 = arith.constant 384 : i32
        %dma_start3A_722 = tpu.memref_slice %arg8[%dma_start3A_721] : memref<640xi32, #tpu.memory_space<vmem>> -> memref<128xi32, #tpu.memory_space<vmem>>
        %dma_start3A_723 = arith.constant 0 : i32
        %dma_start3A_724 = arith.constant 0 : i32
        %dma_start3A_725 = tpu.memref_slice %arg5[%dma_start3A_723, %dma_start3A_724] : memref<100000x128xf32, #tpu.memory_space<hbm>> -> memref<100000x128xf32, #tpu.memory_space<hbm>>
        tpu.enqueue_indirect_dma source(%dma_start3A_725 : memref<100000x128xf32, #tpu.memory_space<hbm>>) target(%dma_start3A_720 : memref<128x128xf32, #tpu.memory_space<vmem>>) offsets(%dma_start3A_722 : memref<128xi32, #tpu.memory_space<vmem>>) semaphore(%arg17 : memref<!tpu.dma_semaphore, #tpu.memory_space<semaphore_mem>>)
      } else {
      }
      %eq3A_151 = arith.constant 25 : i32
      %eq3A_152 = arith.cmpi eq, %scan3A_148, %eq3A_151 : i32
      %convert_element_type3A_153 = arith.extui %eq3A_152 : i1 to i32
      %cond3A_154 = arith.constant 0 : i32
      %cond3A_155 = arith.cmpi ne, %convert_element_type3A_153, %cond3A_154 : i32
      scf.if %cond3A_155 {
        %dma_wait3A_710 = arith.constant 256 : i32
        %dma_wait3A_711 = arith.constant 0 : i32
        %dma_wait3A_712 = tpu.memref_slice %arg10[%dma_wait3A_710, %dma_wait3A_711] : memref<640x128xf32, #tpu.memory_space<vmem>> -> memref<128x128xf32, #tpu.memory_space<vmem>>
        %dma_wait3A_713 = arith.constant 256 : i32
        %dma_wait3A_714 = tpu.memref_slice %arg8[%dma_wait3A_713] : memref<640xi32, #tpu.memory_space<vmem>> -> memref<128xi32, #tpu.memory_space<vmem>>
        %dma_wait3A_715 = arith.constant 0 : i32
        %dma_wait3A_716 = arith.constant 0 : i32
        %dma_wait3A_717 = tpu.memref_slice %arg5[%dma_wait3A_715, %dma_wait3A_716] : memref<100000x128xf32, #tpu.memory_space<hbm>> -> memref<100000x128xf32, #tpu.memory_space<hbm>>
        tpu.wait_indirect_dma semaphore(%arg16 : memref<!tpu.dma_semaphore, #tpu.memory_space<semaphore_mem>>) src(%dma_wait3A_717 : memref<100000x128xf32, #tpu.memory_space<hbm>>) dst(%dma_wait3A_712 : memref<128x128xf32, #tpu.memory_space<vmem>>)
        %dma_start3A_718 = arith.constant 512 : i32
        %dma_start3A_719 = arith.constant 0 : i32
        %dma_start3A_720 = tpu.memref_slice %arg10[%dma_start3A_718, %dma_start3A_719] : memref<640x128xf32, #tpu.memory_space<vmem>> -> memref<128x128xf32, #tpu.memory_space<vmem>>
        %dma_start3A_721 = arith.constant 512 : i32
        %dma_start3A_722 = tpu.memref_slice %arg8[%dma_start3A_721] : memref<640xi32, #tpu.memory_space<vmem>> -> memref<128xi32, #tpu.memory_space<vmem>>
        %dma_start3A_723 = arith.constant 0 : i32
        %dma_start3A_724 = arith.constant 0 : i32
        %dma_start3A_725 = tpu.memref_slice %arg5[%dma_start3A_723, %dma_start3A_724] : memref<100000x128xf32, #tpu.memory_space<hbm>> -> memref<100000x128xf32, #tpu.memory_space<hbm>>
        tpu.enqueue_indirect_dma source(%dma_start3A_725 : memref<100000x128xf32, #tpu.memory_space<hbm>>) target(%dma_start3A_720 : memref<128x128xf32, #tpu.memory_space<vmem>>) offsets(%dma_start3A_722 : memref<128xi32, #tpu.memory_space<vmem>>) semaphore(%arg18 : memref<!tpu.dma_semaphore, #tpu.memory_space<semaphore_mem>>)
      } else {
      }
      %eq3A_156 = arith.constant 38 : i32
      %eq3A_157 = arith.cmpi eq, %scan3A_148, %eq3A_156 : i32
      %convert_element_type3A_158 = arith.extui %eq3A_157 : i1 to i32
      %cond3A_159 = arith.constant 0 : i32
      %cond3A_160 = arith.cmpi ne, %convert_element_type3A_158, %cond3A_159 : i32
      scf.if %cond3A_160 {
        %dma_wait3A_710 = arith.constant 384 : i32
        %dma_wait3A_711 = arith.constant 0 : i32
        %dma_wait3A_712 = tpu.memref_slice %arg10[%dma_wait3A_710, %dma_wait3A_711] : memref<640x128xf32, #tpu.memory_space<vmem>> -> memref<128x128xf32, #tpu.memory_space<vmem>>
        %dma_wait3A_713 = arith.constant 384 : i32
        %dma_wait3A_714 = tpu.memref_slice %arg8[%dma_wait3A_713] : memref<640xi32, #tpu.memory_space<vmem>> -> memref<128xi32, #tpu.memory_space<vmem>>
        %dma_wait3A_715 = arith.constant 0 : i32
        %dma_wait3A_716 = arith.constant 0 : i32
        %dma_wait3A_717 = tpu.memref_slice %arg5[%dma_wait3A_715, %dma_wait3A_716] : memref<100000x128xf32, #tpu.memory_space<hbm>> -> memref<100000x128xf32, #tpu.memory_space<hbm>>
        tpu.wait_indirect_dma semaphore(%arg17 : memref<!tpu.dma_semaphore, #tpu.memory_space<semaphore_mem>>) src(%dma_wait3A_717 : memref<100000x128xf32, #tpu.memory_space<hbm>>) dst(%dma_wait3A_712 : memref<128x128xf32, #tpu.memory_space<vmem>>)
      } else {
      }
      %eq3A_161 = arith.constant 51 : i32
      %eq3A_162 = arith.cmpi eq, %scan3A_148, %eq3A_161 : i32
      %convert_element_type3A_163 = arith.extui %eq3A_162 : i1 to i32
      %cond3A_164 = arith.constant 0 : i32
      %cond3A_165 = arith.cmpi ne, %convert_element_type3A_163, %cond3A_164 : i32
      scf.if %cond3A_165 {
        %dma_wait3A_710 = arith.constant 512 : i32
        %dma_wait3A_711 = arith.constant 0 : i32
        %dma_wait3A_712 = tpu.memref_slice %arg10[%dma_wait3A_710, %dma_wait3A_711] : memref<640x128xf32, #tpu.memory_space<vmem>> -> memref<128x128xf32, #tpu.memory_space<vmem>>
        %dma_wait3A_713 = arith.constant 512 : i32
        %dma_wait3A_714 = tpu.memref_slice %arg8[%dma_wait3A_713] : memref<640xi32, #tpu.memory_space<vmem>> -> memref<128xi32, #tpu.memory_space<vmem>>
        %dma_wait3A_715 = arith.constant 0 : i32
        %dma_wait3A_716 = arith.constant 0 : i32
        %dma_wait3A_717 = tpu.memref_slice %arg5[%dma_wait3A_715, %dma_wait3A_716] : memref<100000x128xf32, #tpu.memory_space<hbm>> -> memref<100000x128xf32, #tpu.memory_space<hbm>>
        tpu.wait_indirect_dma semaphore(%arg18 : memref<!tpu.dma_semaphore, #tpu.memory_space<semaphore_mem>>) src(%dma_wait3A_717 : memref<100000x128xf32, #tpu.memory_space<hbm>>) dst(%dma_wait3A_712 : memref<128x128xf32, #tpu.memory_space<vmem>>)
      } else {
      }
      %mul3A_166 = arith.constant 2 : i32
      %mul3A_167 = arith.muli %scan3A_148, %mul3A_166 : i32
      %add3A_168 = arith.constant 0 : i32
      %add3A_169 = arith.addi %mul3A_167, %add3A_168 : i32
      %get3A = arith.index_cast %add3A_169 : i32 to index
      %get3A_170 = arith.constant 0 : index
      %get3A_171 = tpu.vector_load %arg9[%get3A, %get3A_170] {strides = array<i32>} : memref<128x128xf32, #tpu.memory_space<vmem>>, vector<16xf32>,
      %get3A_172 = arith.index_cast %add3A_169 : i32 to index
      %get3A_173 = arith.constant 16 : index
      %get3A_174 = tpu.vector_load %arg9[%get3A_172, %get3A_173] {strides = array<i32>} : memref<128x128xf32, #tpu.memory_space<vmem>>, vector<16xf32>,
      %get3A_175 = arith.index_cast %add3A_169 : i32 to index
      %get3A_176 = arith.constant 32 : index
      %get3A_177 = tpu.vector_load %arg9[%get3A_175, %get3A_176] {strides = array<i32>} : memref<128x128xf32, #tpu.memory_space<vmem>>, vector<16xf32>,
      %get3A_178 = arith.index_cast %add3A_169 : i32 to index
      %get3A_179 = arith.constant 48 : index
      %get3A_180 = tpu.vector_load %arg9[%get3A_178, %get3A_179] {strides = array<i32>} : memref<128x128xf32, #tpu.memory_space<vmem>>, vector<16xf32>,
      %get3A_181 = arith.index_cast %add3A_169 : i32 to index
      %get3A_182 = arith.constant 64 : index
      %get3A_183 = tpu.vector_load %arg9[%get3A_181, %get3A_182] {strides = array<i32>} : memref<128x128xf32, #tpu.memory_space<vmem>>, vector<16xf32>,
      %get3A_184 = arith.index_cast %add3A_169 : i32 to index
      %get3A_185 = arith.constant 80 : index
      %get3A_186 = tpu.vector_load %arg9[%get3A_184, %get3A_185] {strides = array<i32>} : memref<128x128xf32, #tpu.memory_space<vmem>>, vector<16xf32>,
      %get3A_187 = arith.index_cast %add3A_169 : i32 to index
      %get3A_188 = arith.constant 96 : index
      %get3A_189 = tpu.vector_load %arg9[%get3A_187, %get3A_188] {strides = array<i32>} : memref<128x128xf32, #tpu.memory_space<vmem>>, vector<16xf32>,
      %get3A_190 = arith.index_cast %add3A_169 : i32 to index
      %get3A_191 = arith.constant 112 : index
      %get3A_192 = tpu.vector_load %arg9[%get3A_190, %get3A_191] {strides = array<i32>} : memref<128x128xf32, #tpu.memory_space<vmem>>, vector<16xf32>,
      %mul3A_193 = arith.constant 5 : i32
      %mul3A_194 = arith.muli %add3A_169, %mul3A_193 : i32
      %add3A_195 = arith.constant 0 : i32
      %add3A_196 = arith.addi %mul3A_194, %add3A_195 : i32
      %get3A_197 = arith.index_cast %add3A_196 : i32 to index
      %get3A_198 = arith.constant 0 : index
      %get3A_199 = tpu.vector_load %arg10[%get3A_197, %get3A_198] {strides = array<i32>} : memref<640x128xf32, #tpu.memory_space<vmem>>, vector<16xf32>,
      %mul3A_200 = arith.mulf %get3A_199, %get3A_171 : vector<16xf32>
      %get3A_201 = arith.index_cast %add3A_196 : i32 to index
      %get3A_202 = arith.constant 16 : index
      %get3A_203 = tpu.vector_load %arg10[%get3A_201, %get3A_202] {strides = array<i32>} : memref<640x128xf32, #tpu.memory_space<vmem>>, vector<16xf32>,
      %mul3A_204 = arith.mulf %get3A_203, %get3A_174 : vector<16xf32>
      %get3A_205 = arith.index_cast %add3A_196 : i32 to index
      %get3A_206 = arith.constant 32 : index
      %get3A_207 = tpu.vector_load %arg10[%get3A_205, %get3A_206] {strides = array<i32>} : memref<640x128xf32, #tpu.memory_space<vmem>>, vector<16xf32>,
      %mul3A_208 = arith.mulf %get3A_207, %get3A_177 : vector<16xf32>
      %get3A_209 = arith.index_cast %add3A_196 : i32 to index
      %get3A_210 = arith.constant 48 : index
      %get3A_211 = tpu.vector_load %arg10[%get3A_209, %get3A_210] {strides = array<i32>} : memref<640x128xf32, #tpu.memory_space<vmem>>, vector<16xf32>,
      %mul3A_212 = arith.mulf %get3A_211, %get3A_180 : vector<16xf32>
      %get3A_213 = arith.index_cast %add3A_196 : i32 to index
      %get3A_214 = arith.constant 64 : index
      %get3A_215 = tpu.vector_load %arg10[%get3A_213, %get3A_214] {strides = array<i32>} : memref<640x128xf32, #tpu.memory_space<vmem>>, vector<16xf32>,
      %mul3A_216 = arith.mulf %get3A_215, %get3A_183 : vector<16xf32>
      %get3A_217 = arith.index_cast %add3A_196 : i32 to index
      %get3A_218 = arith.constant 80 : index
      %get3A_219 = tpu.vector_load %arg10[%get3A_217, %get3A_218] {strides = array<i32>} : memref<640x128xf32, #tpu.memory_space<vmem>>, vector<16xf32>,
      %mul3A_220 = arith.mulf %get3A_219, %get3A_186 : vector<16xf32>
      %get3A_221 = arith.index_cast %add3A_196 : i32 to index
      %get3A_222 = arith.constant 96 : index
      %get3A_223 = tpu.vector_load %arg10[%get3A_221, %get3A_222] {strides = array<i32>} : memref<640x128xf32, #tpu.memory_space<vmem>>, vector<16xf32>,
      %mul3A_224 = arith.mulf %get3A_223, %get3A_189 : vector<16xf32>
      %get3A_225 = arith.index_cast %add3A_196 : i32 to index
      %get3A_226 = arith.constant 112 : index
      %get3A_227 = tpu.vector_load %arg10[%get3A_225, %get3A_226] {strides = array<i32>} : memref<640x128xf32, #tpu.memory_space<vmem>>, vector<16xf32>,
      %mul3A_228 = arith.mulf %get3A_227, %get3A_192 : vector<16xf32>
      %add3A_229 = arith.addf %mul3A_200, %mul3A_204 : vector<16xf32>
      %add3A_230 = arith.addf %mul3A_208, %mul3A_212 : vector<16xf32>
      %add3A_231 = arith.addf %mul3A_216, %mul3A_220 : vector<16xf32>
      %add3A_232 = arith.addf %mul3A_224, %mul3A_228 : vector<16xf32>
      %add3A_233 = arith.addf %add3A_229, %add3A_230 : vector<16xf32>
      %add3A_234 = arith.addf %add3A_231, %add3A_232 : vector<16xf32>
      %add3A_235 = arith.addf %add3A_233, %add3A_234 : vector<16xf32>
      %add3A_236 = arith.constant 0 : i32
      %add3A_237 = arith.addi %add3A_236, %add3A_169 : i32
      %mul3A_238 = arith.constant 16 : i32
      %mul3A_239 = arith.muli %add3A_237, %mul3A_238 : i32
      %swap3A = arith.index_cast %mul3A_239 : i32 to index
      %swap3A_240 = tpu.vector_load %arg11[%swap3A] {strides = array<i32>} : memref<10240xf32, #tpu.memory_space<vmem>>, vector<16xf32>,
      tpu.vector_store %arg11[%swap3A], %add3A_235 {strides = array<i32>} : memref<10240xf32, #tpu.memory_space<vmem>>, vector<16xf32>,
      %mul3A_241 = arith.constant 5 : i32
      %mul3A_242 = arith.muli %add3A_169, %mul3A_241 : i32
      %add3A_243 = arith.constant 1 : i32
      %add3A_244 = arith.addi %mul3A_242, %add3A_243 : i32
      %get3A_245 = arith.index_cast %add3A_244 : i32 to index
      %get3A_246 = arith.constant 0 : index
      %get3A_247 = tpu.vector_load %arg10[%get3A_245, %get3A_246] {strides = array<i32>} : memref<640x128xf32, #tpu.memory_space<vmem>>, vector<16xf32>,
      %mul3A_248 = arith.mulf %get3A_247, %get3A_171 : vector<16xf32>
      %get3A_249 = arith.index_cast %add3A_244 : i32 to index
      %get3A_250 = arith.constant 16 : index
      %get3A_251 = tpu.vector_load %arg10[%get3A_249, %get3A_250] {strides = array<i32>} : memref<640x128xf32, #tpu.memory_space<vmem>>, vector<16xf32>,
      %mul3A_252 = arith.mulf %get3A_251, %get3A_174 : vector<16xf32>
      %get3A_253 = arith.index_cast %add3A_244 : i32 to index
      %get3A_254 = arith.constant 32 : index
      %get3A_255 = tpu.vector_load %arg10[%get3A_253, %get3A_254] {strides = array<i32>} : memref<640x128xf32, #tpu.memory_space<vmem>>, vector<16xf32>,
      %mul3A_256 = arith.mulf %get3A_255, %get3A_177 : vector<16xf32>
      %get3A_257 = arith.index_cast %add3A_244 : i32 to index
      %get3A_258 = arith.constant 48 : index
      %get3A_259 = tpu.vector_load %arg10[%get3A_257, %get3A_258] {strides = array<i32>} : memref<640x128xf32, #tpu.memory_space<vmem>>, vector<16xf32>,
      %mul3A_260 = arith.mulf %get3A_259, %get3A_180 : vector<16xf32>
      %get3A_261 = arith.index_cast %add3A_244 : i32 to index
      %get3A_262 = arith.constant 64 : index
      %get3A_263 = tpu.vector_load %arg10[%get3A_261, %get3A_262] {strides = array<i32>} : memref<640x128xf32, #tpu.memory_space<vmem>>, vector<16xf32>,
      %mul3A_264 = arith.mulf %get3A_263, %get3A_183 : vector<16xf32>
      %get3A_265 = arith.index_cast %add3A_244 : i32 to index
      %get3A_266 = arith.constant 80 : index
      %get3A_267 = tpu.vector_load %arg10[%get3A_265, %get3A_266] {strides = array<i32>} : memref<640x128xf32, #tpu.memory_space<vmem>>, vector<16xf32>,
      %mul3A_268 = arith.mulf %get3A_267, %get3A_186 : vector<16xf32>
      %get3A_269 = arith.index_cast %add3A_244 : i32 to index
      %get3A_270 = arith.constant 96 : index
      %get3A_271 = tpu.vector_load %arg10[%get3A_269, %get3A_270] {strides = array<i32>} : memref<640x128xf32, #tpu.memory_space<vmem>>, vector<16xf32>,
      %mul3A_272 = arith.mulf %get3A_271, %get3A_189 : vector<16xf32>
      %get3A_273 = arith.index_cast %add3A_244 : i32 to index
      %get3A_274 = arith.constant 112 : index
      %get3A_275 = tpu.vector_load %arg10[%get3A_273, %get3A_274] {strides = array<i32>} : memref<640x128xf32, #tpu.memory_space<vmem>>, vector<16xf32>,
      %mul3A_276 = arith.mulf %get3A_275, %get3A_192 : vector<16xf32>
      %add3A_277 = arith.addf %mul3A_248, %mul3A_252 : vector<16xf32>
      %add3A_278 = arith.addf %mul3A_256, %mul3A_260 : vector<16xf32>
      %add3A_279 = arith.addf %mul3A_264, %mul3A_268 : vector<16xf32>
      %add3A_280 = arith.addf %mul3A_272, %mul3A_276 : vector<16xf32>
      %add3A_281 = arith.addf %add3A_277, %add3A_278 : vector<16xf32>
      %add3A_282 = arith.addf %add3A_279, %add3A_280 : vector<16xf32>
      %add3A_283 = arith.addf %add3A_281, %add3A_282 : vector<16xf32>
      %add3A_284 = arith.constant 128 : i32
      %add3A_285 = arith.addi %add3A_284, %add3A_169 : i32
      %mul3A_286 = arith.constant 16 : i32
      %mul3A_287 = arith.muli %add3A_285, %mul3A_286 : i32
      %swap3A_288 = arith.index_cast %mul3A_287 : i32 to index
      %swap3A_289 = tpu.vector_load %arg11[%swap3A_288] {strides = array<i32>} : memref<10240xf32, #tpu.memory_space<vmem>>, vector<16xf32>,
      tpu.vector_store %arg11[%swap3A_288], %add3A_283 {strides = array<i32>} : memref<10240xf32, #tpu.memory_space<vmem>>, vector<16xf32>,
      %mul3A_290 = arith.constant 5 : i32
      %mul3A_291 = arith.muli %add3A_169, %mul3A_290 : i32
      %add3A_292 = arith.constant 2 : i32
      %add3A_293 = arith.addi %mul3A_291, %add3A_292 : i32
      %get3A_294 = arith.index_cast %add3A_293 : i32 to index
      %get3A_295 = arith.constant 0 : index
      %get3A_296 = tpu.vector_load %arg10[%get3A_294, %get3A_295] {strides = array<i32>} : memref<640x128xf32, #tpu.memory_space<vmem>>, vector<16xf32>,
      %mul3A_297 = arith.mulf %get3A_296, %get3A_171 : vector<16xf32>
      %get3A_298 = arith.index_cast %add3A_293 : i32 to index
      %get3A_299 = arith.constant 16 : index
      %get3A_300 = tpu.vector_load %arg10[%get3A_298, %get3A_299] {strides = array<i32>} : memref<640x128xf32, #tpu.memory_space<vmem>>, vector<16xf32>,
      %mul3A_301 = arith.mulf %get3A_300, %get3A_174 : vector<16xf32>
      %get3A_302 = arith.index_cast %add3A_293 : i32 to index
      %get3A_303 = arith.constant 32 : index
      %get3A_304 = tpu.vector_load %arg10[%get3A_302, %get3A_303] {strides = array<i32>} : memref<640x128xf32, #tpu.memory_space<vmem>>, vector<16xf32>,
      %mul3A_305 = arith.mulf %get3A_304, %get3A_177 : vector<16xf32>
      %get3A_306 = arith.index_cast %add3A_293 : i32 to index
      %get3A_307 = arith.constant 48 : index
      %get3A_308 = tpu.vector_load %arg10[%get3A_306, %get3A_307] {strides = array<i32>} : memref<640x128xf32, #tpu.memory_space<vmem>>, vector<16xf32>,
      %mul3A_309 = arith.mulf %get3A_308, %get3A_180 : vector<16xf32>
      %get3A_310 = arith.index_cast %add3A_293 : i32 to index
      %get3A_311 = arith.constant 64 : index
      %get3A_312 = tpu.vector_load %arg10[%get3A_310, %get3A_311] {strides = array<i32>} : memref<640x128xf32, #tpu.memory_space<vmem>>, vector<16xf32>,
      %mul3A_313 = arith.mulf %get3A_312, %get3A_183 : vector<16xf32>
      %get3A_314 = arith.index_cast %add3A_293 : i32 to index
      %get3A_315 = arith.constant 80 : index
      %get3A_316 = tpu.vector_load %arg10[%get3A_314, %get3A_315] {strides = array<i32>} : memref<640x128xf32, #tpu.memory_space<vmem>>, vector<16xf32>,
      %mul3A_317 = arith.mulf %get3A_316, %get3A_186 : vector<16xf32>
      %get3A_318 = arith.index_cast %add3A_293 : i32 to index
      %get3A_319 = arith.constant 96 : index
      %get3A_320 = tpu.vector_load %arg10[%get3A_318, %get3A_319] {strides = array<i32>} : memref<640x128xf32, #tpu.memory_space<vmem>>, vector<16xf32>,
      %mul3A_321 = arith.mulf %get3A_320, %get3A_189 : vector<16xf32>
      %get3A_322 = arith.index_cast %add3A_293 : i32 to index
      %get3A_323 = arith.constant 112 : index
      %get3A_324 = tpu.vector_load %arg10[%get3A_322, %get3A_323] {strides = array<i32>} : memref<640x128xf32, #tpu.memory_space<vmem>>, vector<16xf32>,
      %mul3A_325 = arith.mulf %get3A_324, %get3A_192 : vector<16xf32>
      %add3A_326 = arith.addf %mul3A_297, %mul3A_301 : vector<16xf32>
      %add3A_327 = arith.addf %mul3A_305, %mul3A_309 : vector<16xf32>
      %add3A_328 = arith.addf %mul3A_313, %mul3A_317 : vector<16xf32>
      %add3A_329 = arith.addf %mul3A_321, %mul3A_325 : vector<16xf32>
      %add3A_330 = arith.addf %add3A_326, %add3A_327 : vector<16xf32>
      %add3A_331 = arith.addf %add3A_328, %add3A_329 : vector<16xf32>
      %add3A_332 = arith.addf %add3A_330, %add3A_331 : vector<16xf32>
      %add3A_333 = arith.constant 256 : i32
      %add3A_334 = arith.addi %add3A_333, %add3A_169 : i32
      %mul3A_335 = arith.constant 16 : i32
      %mul3A_336 = arith.muli %add3A_334, %mul3A_335 : i32
      %swap3A_337 = arith.index_cast %mul3A_336 : i32 to index
      %swap3A_338 = tpu.vector_load %arg11[%swap3A_337] {strides = array<i32>} : memref<10240xf32, #tpu.memory_space<vmem>>, vector<16xf32>,
      tpu.vector_store %arg11[%swap3A_337], %add3A_332 {strides = array<i32>} : memref<10240xf32, #tpu.memory_space<vmem>>, vector<16xf32>,
      %mul3A_339 = arith.constant 5 : i32
      %mul3A_340 = arith.muli %add3A_169, %mul3A_339 : i32
      %add3A_341 = arith.constant 3 : i32
      %add3A_342 = arith.addi %mul3A_340, %add3A_341 : i32
      %get3A_343 = arith.index_cast %add3A_342 : i32 to index
      %get3A_344 = arith.constant 0 : index
      %get3A_345 = tpu.vector_load %arg10[%get3A_343, %get3A_344] {strides = array<i32>} : memref<640x128xf32, #tpu.memory_space<vmem>>, vector<16xf32>,
      %mul3A_346 = arith.mulf %get3A_345, %get3A_171 : vector<16xf32>
      %get3A_347 = arith.index_cast %add3A_342 : i32 to index
      %get3A_348 = arith.constant 16 : index
      %get3A_349 = tpu.vector_load %arg10[%get3A_347, %get3A_348] {strides = array<i32>} : memref<640x128xf32, #tpu.memory_space<vmem>>, vector<16xf32>,
      %mul3A_350 = arith.mulf %get3A_349, %get3A_174 : vector<16xf32>
      %get3A_351 = arith.index_cast %add3A_342 : i32 to index
      %get3A_352 = arith.constant 32 : index
      %get3A_353 = tpu.vector_load %arg10[%get3A_351, %get3A_352] {strides = array<i32>} : memref<640x128xf32, #tpu.memory_space<vmem>>, vector<16xf32>,
      %mul3A_354 = arith.mulf %get3A_353, %get3A_177 : vector<16xf32>
      %get3A_355 = arith.index_cast %add3A_342 : i32 to index
      %get3A_356 = arith.constant 48 : index
      %get3A_357 = tpu.vector_load %arg10[%get3A_355, %get3A_356] {strides = array<i32>} : memref<640x128xf32, #tpu.memory_space<vmem>>, vector<16xf32>,
      %mul3A_358 = arith.mulf %get3A_357, %get3A_180 : vector<16xf32>
      %get3A_359 = arith.index_cast %add3A_342 : i32 to index
      %get3A_360 = arith.constant 64 : index
      %get3A_361 = tpu.vector_load %arg10[%get3A_359, %get3A_360] {strides = array<i32>} : memref<640x128xf32, #tpu.memory_space<vmem>>, vector<16xf32>,
      %mul3A_362 = arith.mulf %get3A_361, %get3A_183 : vector<16xf32>
      %get3A_363 = arith.index_cast %add3A_342 : i32 to index
      %get3A_364 = arith.constant 80 : index
      %get3A_365 = tpu.vector_load %arg10[%get3A_363, %get3A_364] {strides = array<i32>} : memref<640x128xf32, #tpu.memory_space<vmem>>, vector<16xf32>,
      %mul3A_366 = arith.mulf %get3A_365, %get3A_186 : vector<16xf32>
      %get3A_367 = arith.index_cast %add3A_342 : i32 to index
      %get3A_368 = arith.constant 96 : index
      %get3A_369 = tpu.vector_load %arg10[%get3A_367, %get3A_368] {strides = array<i32>} : memref<640x128xf32, #tpu.memory_space<vmem>>, vector<16xf32>,
      %mul3A_370 = arith.mulf %get3A_369, %get3A_189 : vector<16xf32>
      %get3A_371 = arith.index_cast %add3A_342 : i32 to index
      %get3A_372 = arith.constant 112 : index
      %get3A_373 = tpu.vector_load %arg10[%get3A_371, %get3A_372] {strides = array<i32>} : memref<640x128xf32, #tpu.memory_space<vmem>>, vector<16xf32>,
      %mul3A_374 = arith.mulf %get3A_373, %get3A_192 : vector<16xf32>
      %add3A_375 = arith.addf %mul3A_346, %mul3A_350 : vector<16xf32>
      %add3A_376 = arith.addf %mul3A_354, %mul3A_358 : vector<16xf32>
      %add3A_377 = arith.addf %mul3A_362, %mul3A_366 : vector<16xf32>
      %add3A_378 = arith.addf %mul3A_370, %mul3A_374 : vector<16xf32>
      %add3A_379 = arith.addf %add3A_375, %add3A_376 : vector<16xf32>
      %add3A_380 = arith.addf %add3A_377, %add3A_378 : vector<16xf32>
      %add3A_381 = arith.addf %add3A_379, %add3A_380 : vector<16xf32>
      %add3A_382 = arith.constant 384 : i32
      %add3A_383 = arith.addi %add3A_382, %add3A_169 : i32
      %mul3A_384 = arith.constant 16 : i32
      %mul3A_385 = arith.muli %add3A_383, %mul3A_384 : i32
      %swap3A_386 = arith.index_cast %mul3A_385 : i32 to index
      %swap3A_387 = tpu.vector_load %arg11[%swap3A_386] {strides = array<i32>} : memref<10240xf32, #tpu.memory_space<vmem>>, vector<16xf32>,
      tpu.vector_store %arg11[%swap3A_386], %add3A_381 {strides = array<i32>} : memref<10240xf32, #tpu.memory_space<vmem>>, vector<16xf32>,
      %mul3A_388 = arith.constant 5 : i32
      %mul3A_389 = arith.muli %add3A_169, %mul3A_388 : i32
      %add3A_390 = arith.constant 4 : i32
      %add3A_391 = arith.addi %mul3A_389, %add3A_390 : i32
      %get3A_392 = arith.index_cast %add3A_391 : i32 to index
      %get3A_393 = arith.constant 0 : index
      %get3A_394 = tpu.vector_load %arg10[%get3A_392, %get3A_393] {strides = array<i32>} : memref<640x128xf32, #tpu.memory_space<vmem>>, vector<16xf32>,
      %mul3A_395 = arith.mulf %get3A_394, %get3A_171 : vector<16xf32>
      %get3A_396 = arith.index_cast %add3A_391 : i32 to index
      %get3A_397 = arith.constant 16 : index
      %get3A_398 = tpu.vector_load %arg10[%get3A_396, %get3A_397] {strides = array<i32>} : memref<640x128xf32, #tpu.memory_space<vmem>>, vector<16xf32>,
      %mul3A_399 = arith.mulf %get3A_398, %get3A_174 : vector<16xf32>
      %get3A_400 = arith.index_cast %add3A_391 : i32 to index
      %get3A_401 = arith.constant 32 : index
      %get3A_402 = tpu.vector_load %arg10[%get3A_400, %get3A_401] {strides = array<i32>} : memref<640x128xf32, #tpu.memory_space<vmem>>, vector<16xf32>,
      %mul3A_403 = arith.mulf %get3A_402, %get3A_177 : vector<16xf32>
      %get3A_404 = arith.index_cast %add3A_391 : i32 to index
      %get3A_405 = arith.constant 48 : index
      %get3A_406 = tpu.vector_load %arg10[%get3A_404, %get3A_405] {strides = array<i32>} : memref<640x128xf32, #tpu.memory_space<vmem>>, vector<16xf32>,
      %mul3A_407 = arith.mulf %get3A_406, %get3A_180 : vector<16xf32>
      %get3A_408 = arith.index_cast %add3A_391 : i32 to index
      %get3A_409 = arith.constant 64 : index
      %get3A_410 = tpu.vector_load %arg10[%get3A_408, %get3A_409] {strides = array<i32>} : memref<640x128xf32, #tpu.memory_space<vmem>>, vector<16xf32>,
      %mul3A_411 = arith.mulf %get3A_410, %get3A_183 : vector<16xf32>
      %get3A_412 = arith.index_cast %add3A_391 : i32 to index
      %get3A_413 = arith.constant 80 : index
      %get3A_414 = tpu.vector_load %arg10[%get3A_412, %get3A_413] {strides = array<i32>} : memref<640x128xf32, #tpu.memory_space<vmem>>, vector<16xf32>,
      %mul3A_415 = arith.mulf %get3A_414, %get3A_186 : vector<16xf32>
      %get3A_416 = arith.index_cast %add3A_391 : i32 to index
      %get3A_417 = arith.constant 96 : index
      %get3A_418 = tpu.vector_load %arg10[%get3A_416, %get3A_417] {strides = array<i32>} : memref<640x128xf32, #tpu.memory_space<vmem>>, vector<16xf32>,
      %mul3A_419 = arith.mulf %get3A_418, %get3A_189 : vector<16xf32>
      %get3A_420 = arith.index_cast %add3A_391 : i32 to index
      %get3A_421 = arith.constant 112 : index
      %get3A_422 = tpu.vector_load %arg10[%get3A_420, %get3A_421] {strides = array<i32>} : memref<640x128xf32, #tpu.memory_space<vmem>>, vector<16xf32>,
      %mul3A_423 = arith.mulf %get3A_422, %get3A_192 : vector<16xf32>
      %add3A_424 = arith.addf %mul3A_395, %mul3A_399 : vector<16xf32>
      %add3A_425 = arith.addf %mul3A_403, %mul3A_407 : vector<16xf32>
      %add3A_426 = arith.addf %mul3A_411, %mul3A_415 : vector<16xf32>
      %add3A_427 = arith.addf %mul3A_419, %mul3A_423 : vector<16xf32>
      %add3A_428 = arith.addf %add3A_424, %add3A_425 : vector<16xf32>
      %add3A_429 = arith.addf %add3A_426, %add3A_427 : vector<16xf32>
      %add3A_430 = arith.addf %add3A_428, %add3A_429 : vector<16xf32>
      %add3A_431 = arith.constant 512 : i32
      %add3A_432 = arith.addi %add3A_431, %add3A_169 : i32
      %mul3A_433 = arith.constant 16 : i32
      %mul3A_434 = arith.muli %add3A_432, %mul3A_433 : i32
      %swap3A_435 = arith.index_cast %mul3A_434 : i32 to index
      %swap3A_436 = tpu.vector_load %arg11[%swap3A_435] {strides = array<i32>} : memref<10240xf32, #tpu.memory_space<vmem>>, vector<16xf32>,
      tpu.vector_store %arg11[%swap3A_435], %add3A_430 {strides = array<i32>} : memref<10240xf32, #tpu.memory_space<vmem>>, vector<16xf32>,
      %mul3A_437 = arith.constant 2 : i32
      %mul3A_438 = arith.muli %scan3A_148, %mul3A_437 : i32
      %add3A_439 = arith.constant 1 : i32
      %add3A_440 = arith.addi %mul3A_438, %add3A_439 : i32
      %get3A_441 = arith.index_cast %add3A_440 : i32 to index
      %get3A_442 = arith.constant 0 : index
      %get3A_443 = tpu.vector_load %arg9[%get3A_441, %get3A_442] {strides = array<i32>} : memref<128x128xf32, #tpu.memory_space<vmem>>, vector<16xf32>,
      %get3A_444 = arith.index_cast %add3A_440 : i32 to index
      %get3A_445 = arith.constant 16 : index
      %get3A_446 = tpu.vector_load %arg9[%get3A_444, %get3A_445] {strides = array<i32>} : memref<128x128xf32, #tpu.memory_space<vmem>>, vector<16xf32>,
      %get3A_447 = arith.index_cast %add3A_440 : i32 to index
      %get3A_448 = arith.constant 32 : index
      %get3A_449 = tpu.vector_load %arg9[%get3A_447, %get3A_448] {strides = array<i32>} : memref<128x128xf32, #tpu.memory_space<vmem>>, vector<16xf32>,
      %get3A_450 = arith.index_cast %add3A_440 : i32 to index
      %get3A_451 = arith.constant 48 : index
      %get3A_452 = tpu.vector_load %arg9[%get3A_450, %get3A_451] {strides = array<i32>} : memref<128x128xf32, #tpu.memory_space<vmem>>, vector<16xf32>,
      %get3A_453 = arith.index_cast %add3A_440 : i32 to index
      %get3A_454 = arith.constant 64 : index
      %get3A_455 = tpu.vector_load %arg9[%get3A_453, %get3A_454] {strides = array<i32>} : memref<128x128xf32, #tpu.memory_space<vmem>>, vector<16xf32>,
      %get3A_456 = arith.index_cast %add3A_440 : i32 to index
      %get3A_457 = arith.constant 80 : index
      %get3A_458 = tpu.vector_load %arg9[%get3A_456, %get3A_457] {strides = array<i32>} : memref<128x128xf32, #tpu.memory_space<vmem>>, vector<16xf32>,
      %get3A_459 = arith.index_cast %add3A_440 : i32 to index
      %get3A_460 = arith.constant 96 : index
      %get3A_461 = tpu.vector_load %arg9[%get3A_459, %get3A_460] {strides = array<i32>} : memref<128x128xf32, #tpu.memory_space<vmem>>, vector<16xf32>,
      %get3A_462 = arith.index_cast %add3A_440 : i32 to index
      %get3A_463 = arith.constant 112 : index
      %get3A_464 = tpu.vector_load %arg9[%get3A_462, %get3A_463] {strides = array<i32>} : memref<128x128xf32, #tpu.memory_space<vmem>>, vector<16xf32>,
      %mul3A_465 = arith.constant 5 : i32
      %mul3A_466 = arith.muli %add3A_440, %mul3A_465 : i32
      %add3A_467 = arith.constant 0 : i32
      %add3A_468 = arith.addi %mul3A_466, %add3A_467 : i32
      %get3A_469 = arith.index_cast %add3A_468 : i32 to index
      %get3A_470 = arith.constant 0 : index
      %get3A_471 = tpu.vector_load %arg10[%get3A_469, %get3A_470] {strides = array<i32>} : memref<640x128xf32, #tpu.memory_space<vmem>>, vector<16xf32>,
      %mul3A_472 = arith.mulf %get3A_471, %get3A_443 : vector<16xf32>
      %get3A_473 = arith.index_cast %add3A_468 : i32 to index
      %get3A_474 = arith.constant 16 : index
      %get3A_475 = tpu.vector_load %arg10[%get3A_473, %get3A_474] {strides = array<i32>} : memref<640x128xf32, #tpu.memory_space<vmem>>, vector<16xf32>,
      %mul3A_476 = arith.mulf %get3A_475, %get3A_446 : vector<16xf32>
      %get3A_477 = arith.index_cast %add3A_468 : i32 to index
      %get3A_478 = arith.constant 32 : index
      %get3A_479 = tpu.vector_load %arg10[%get3A_477, %get3A_478] {strides = array<i32>} : memref<640x128xf32, #tpu.memory_space<vmem>>, vector<16xf32>,
      %mul3A_480 = arith.mulf %get3A_479, %get3A_449 : vector<16xf32>
      %get3A_481 = arith.index_cast %add3A_468 : i32 to index
      %get3A_482 = arith.constant 48 : index
      %get3A_483 = tpu.vector_load %arg10[%get3A_481, %get3A_482] {strides = array<i32>} : memref<640x128xf32, #tpu.memory_space<vmem>>, vector<16xf32>,
      %mul3A_484 = arith.mulf %get3A_483, %get3A_452 : vector<16xf32>
      %get3A_485 = arith.index_cast %add3A_468 : i32 to index
      %get3A_486 = arith.constant 64 : index
      %get3A_487 = tpu.vector_load %arg10[%get3A_485, %get3A_486] {strides = array<i32>} : memref<640x128xf32, #tpu.memory_space<vmem>>, vector<16xf32>,
      %mul3A_488 = arith.mulf %get3A_487, %get3A_455 : vector<16xf32>
      %get3A_489 = arith.index_cast %add3A_468 : i32 to index
      %get3A_490 = arith.constant 80 : index
      %get3A_491 = tpu.vector_load %arg10[%get3A_489, %get3A_490] {strides = array<i32>} : memref<640x128xf32, #tpu.memory_space<vmem>>, vector<16xf32>,
      %mul3A_492 = arith.mulf %get3A_491, %get3A_458 : vector<16xf32>
      %get3A_493 = arith.index_cast %add3A_468 : i32 to index
      %get3A_494 = arith.constant 96 : index
      %get3A_495 = tpu.vector_load %arg10[%get3A_493, %get3A_494] {strides = array<i32>} : memref<640x128xf32, #tpu.memory_space<vmem>>, vector<16xf32>,
      %mul3A_496 = arith.mulf %get3A_495, %get3A_461 : vector<16xf32>
      %get3A_497 = arith.index_cast %add3A_468 : i32 to index
      %get3A_498 = arith.constant 112 : index
      %get3A_499 = tpu.vector_load %arg10[%get3A_497, %get3A_498] {strides = array<i32>} : memref<640x128xf32, #tpu.memory_space<vmem>>, vector<16xf32>,
      %mul3A_500 = arith.mulf %get3A_499, %get3A_464 : vector<16xf32>
      %add3A_501 = arith.addf %mul3A_472, %mul3A_476 : vector<16xf32>
      %add3A_502 = arith.addf %mul3A_480, %mul3A_484 : vector<16xf32>
      %add3A_503 = arith.addf %mul3A_488, %mul3A_492 : vector<16xf32>
      %add3A_504 = arith.addf %mul3A_496, %mul3A_500 : vector<16xf32>
      %add3A_505 = arith.addf %add3A_501, %add3A_502 : vector<16xf32>
      %add3A_506 = arith.addf %add3A_503, %add3A_504 : vector<16xf32>
      %add3A_507 = arith.addf %add3A_505, %add3A_506 : vector<16xf32>
      %add3A_508 = arith.constant 0 : i32
      %add3A_509 = arith.addi %add3A_508, %add3A_440 : i32
      %mul3A_510 = arith.constant 16 : i32
      %mul3A_511 = arith.muli %add3A_509, %mul3A_510 : i32
      %swap3A_512 = arith.index_cast %mul3A_511 : i32 to index
      %swap3A_513 = tpu.vector_load %arg11[%swap3A_512] {strides = array<i32>} : memref<10240xf32, #tpu.memory_space<vmem>>, vector<16xf32>,
      tpu.vector_store %arg11[%swap3A_512], %add3A_507 {strides = array<i32>} : memref<10240xf32, #tpu.memory_space<vmem>>, vector<16xf32>,
      %mul3A_514 = arith.constant 5 : i32
      %mul3A_515 = arith.muli %add3A_440, %mul3A_514 : i32
      %add3A_516 = arith.constant 1 : i32
      %add3A_517 = arith.addi %mul3A_515, %add3A_516 : i32
      %get3A_518 = arith.index_cast %add3A_517 : i32 to index
      %get3A_519 = arith.constant 0 : index
      %get3A_520 = tpu.vector_load %arg10[%get3A_518, %get3A_519] {strides = array<i32>} : memref<640x128xf32, #tpu.memory_space<vmem>>, vector<16xf32>,
      %mul3A_521 = arith.mulf %get3A_520, %get3A_443 : vector<16xf32>
      %get3A_522 = arith.index_cast %add3A_517 : i32 to index
      %get3A_523 = arith.constant 16 : index
      %get3A_524 = tpu.vector_load %arg10[%get3A_522, %get3A_523] {strides = array<i32>} : memref<640x128xf32, #tpu.memory_space<vmem>>, vector<16xf32>,
      %mul3A_525 = arith.mulf %get3A_524, %get3A_446 : vector<16xf32>
      %get3A_526 = arith.index_cast %add3A_517 : i32 to index
      %get3A_527 = arith.constant 32 : index
      %get3A_528 = tpu.vector_load %arg10[%get3A_526, %get3A_527] {strides = array<i32>} : memref<640x128xf32, #tpu.memory_space<vmem>>, vector<16xf32>,
      %mul3A_529 = arith.mulf %get3A_528, %get3A_449 : vector<16xf32>
      %get3A_530 = arith.index_cast %add3A_517 : i32 to index
      %get3A_531 = arith.constant 48 : index
      %get3A_532 = tpu.vector_load %arg10[%get3A_530, %get3A_531] {strides = array<i32>} : memref<640x128xf32, #tpu.memory_space<vmem>>, vector<16xf32>,
      %mul3A_533 = arith.mulf %get3A_532, %get3A_452 : vector<16xf32>
      %get3A_534 = arith.index_cast %add3A_517 : i32 to index
      %get3A_535 = arith.constant 64 : index
      %get3A_536 = tpu.vector_load %arg10[%get3A_534, %get3A_535] {strides = array<i32>} : memref<640x128xf32, #tpu.memory_space<vmem>>, vector<16xf32>,
      %mul3A_537 = arith.mulf %get3A_536, %get3A_455 : vector<16xf32>
      %get3A_538 = arith.index_cast %add3A_517 : i32 to index
      %get3A_539 = arith.constant 80 : index
      %get3A_540 = tpu.vector_load %arg10[%get3A_538, %get3A_539] {strides = array<i32>} : memref<640x128xf32, #tpu.memory_space<vmem>>, vector<16xf32>,
      %mul3A_541 = arith.mulf %get3A_540, %get3A_458 : vector<16xf32>
      %get3A_542 = arith.index_cast %add3A_517 : i32 to index
      %get3A_543 = arith.constant 96 : index
      %get3A_544 = tpu.vector_load %arg10[%get3A_542, %get3A_543] {strides = array<i32>} : memref<640x128xf32, #tpu.memory_space<vmem>>, vector<16xf32>,
      %mul3A_545 = arith.mulf %get3A_544, %get3A_461 : vector<16xf32>
      %get3A_546 = arith.index_cast %add3A_517 : i32 to index
      %get3A_547 = arith.constant 112 : index
      %get3A_548 = tpu.vector_load %arg10[%get3A_546, %get3A_547] {strides = array<i32>} : memref<640x128xf32, #tpu.memory_space<vmem>>, vector<16xf32>,
      %mul3A_549 = arith.mulf %get3A_548, %get3A_464 : vector<16xf32>
      %add3A_550 = arith.addf %mul3A_521, %mul3A_525 : vector<16xf32>
      %add3A_551 = arith.addf %mul3A_529, %mul3A_533 : vector<16xf32>
      %add3A_552 = arith.addf %mul3A_537, %mul3A_541 : vector<16xf32>
      %add3A_553 = arith.addf %mul3A_545, %mul3A_549 : vector<16xf32>
      %add3A_554 = arith.addf %add3A_550, %add3A_551 : vector<16xf32>
      %add3A_555 = arith.addf %add3A_552, %add3A_553 : vector<16xf32>
      %add3A_556 = arith.addf %add3A_554, %add3A_555 : vector<16xf32>
      %add3A_557 = arith.constant 128 : i32
      %add3A_558 = arith.addi %add3A_557, %add3A_440 : i32
      %mul3A_559 = arith.constant 16 : i32
      %mul3A_560 = arith.muli %add3A_558, %mul3A_559 : i32
      %swap3A_561 = arith.index_cast %mul3A_560 : i32 to index
      %swap3A_562 = tpu.vector_load %arg11[%swap3A_561] {strides = array<i32>} : memref<10240xf32, #tpu.memory_space<vmem>>, vector<16xf32>,
      tpu.vector_store %arg11[%swap3A_561], %add3A_556 {strides = array<i32>} : memref<10240xf32, #tpu.memory_space<vmem>>, vector<16xf32>,
      %mul3A_563 = arith.constant 5 : i32
      %mul3A_564 = arith.muli %add3A_440, %mul3A_563 : i32
      %add3A_565 = arith.constant 2 : i32
      %add3A_566 = arith.addi %mul3A_564, %add3A_565 : i32
      %get3A_567 = arith.index_cast %add3A_566 : i32 to index
      %get3A_568 = arith.constant 0 : index
      %get3A_569 = tpu.vector_load %arg10[%get3A_567, %get3A_568] {strides = array<i32>} : memref<640x128xf32, #tpu.memory_space<vmem>>, vector<16xf32>,
      %mul3A_570 = arith.mulf %get3A_569, %get3A_443 : vector<16xf32>
      %get3A_571 = arith.index_cast %add3A_566 : i32 to index
      %get3A_572 = arith.constant 16 : index
      %get3A_573 = tpu.vector_load %arg10[%get3A_571, %get3A_572] {strides = array<i32>} : memref<640x128xf32, #tpu.memory_space<vmem>>, vector<16xf32>,
      %mul3A_574 = arith.mulf %get3A_573, %get3A_446 : vector<16xf32>
      %get3A_575 = arith.index_cast %add3A_566 : i32 to index
      %get3A_576 = arith.constant 32 : index
      %get3A_577 = tpu.vector_load %arg10[%get3A_575, %get3A_576] {strides = array<i32>} : memref<640x128xf32, #tpu.memory_space<vmem>>, vector<16xf32>,
      %mul3A_578 = arith.mulf %get3A_577, %get3A_449 : vector<16xf32>
      %get3A_579 = arith.index_cast %add3A_566 : i32 to index
      %get3A_580 = arith.constant 48 : index
      %get3A_581 = tpu.vector_load %arg10[%get3A_579, %get3A_580] {strides = array<i32>} : memref<640x128xf32, #tpu.memory_space<vmem>>, vector<16xf32>,
      %mul3A_582 = arith.mulf %get3A_581, %get3A_452 : vector<16xf32>
      %get3A_583 = arith.index_cast %add3A_566 : i32 to index
      %get3A_584 = arith.constant 64 : index
      %get3A_585 = tpu.vector_load %arg10[%get3A_583, %get3A_584] {strides = array<i32>} : memref<640x128xf32, #tpu.memory_space<vmem>>, vector<16xf32>,
      %mul3A_586 = arith.mulf %get3A_585, %get3A_455 : vector<16xf32>
      %get3A_587 = arith.index_cast %add3A_566 : i32 to index
      %get3A_588 = arith.constant 80 : index
      %get3A_589 = tpu.vector_load %arg10[%get3A_587, %get3A_588] {strides = array<i32>} : memref<640x128xf32, #tpu.memory_space<vmem>>, vector<16xf32>,
      %mul3A_590 = arith.mulf %get3A_589, %get3A_458 : vector<16xf32>
      %get3A_591 = arith.index_cast %add3A_566 : i32 to index
      %get3A_592 = arith.constant 96 : index
      %get3A_593 = tpu.vector_load %arg10[%get3A_591, %get3A_592] {strides = array<i32>} : memref<640x128xf32, #tpu.memory_space<vmem>>, vector<16xf32>,
      %mul3A_594 = arith.mulf %get3A_593, %get3A_461 : vector<16xf32>
      %get3A_595 = arith.index_cast %add3A_566 : i32 to index
      %get3A_596 = arith.constant 112 : index
      %get3A_597 = tpu.vector_load %arg10[%get3A_595, %get3A_596] {strides = array<i32>} : memref<640x128xf32, #tpu.memory_space<vmem>>, vector<16xf32>,
      %mul3A_598 = arith.mulf %get3A_597, %get3A_464 : vector<16xf32>
      %add3A_599 = arith.addf %mul3A_570, %mul3A_574 : vector<16xf32>
      %add3A_600 = arith.addf %mul3A_578, %mul3A_582 : vector<16xf32>
      %add3A_601 = arith.addf %mul3A_586, %mul3A_590 : vector<16xf32>
      %add3A_602 = arith.addf %mul3A_594, %mul3A_598 : vector<16xf32>
      %add3A_603 = arith.addf %add3A_599, %add3A_600 : vector<16xf32>
      %add3A_604 = arith.addf %add3A_601, %add3A_602 : vector<16xf32>
      %add3A_605 = arith.addf %add3A_603, %add3A_604 : vector<16xf32>
      %add3A_606 = arith.constant 256 : i32
      %add3A_607 = arith.addi %add3A_606, %add3A_440 : i32
      %mul3A_608 = arith.constant 16 : i32
      %mul3A_609 = arith.muli %add3A_607, %mul3A_608 : i32
      %swap3A_610 = arith.index_cast %mul3A_609 : i32 to index
      %swap3A_611 = tpu.vector_load %arg11[%swap3A_610] {strides = array<i32>} : memref<10240xf32, #tpu.memory_space<vmem>>, vector<16xf32>,
      tpu.vector_store %arg11[%swap3A_610], %add3A_605 {strides = array<i32>} : memref<10240xf32, #tpu.memory_space<vmem>>, vector<16xf32>,
      %mul3A_612 = arith.constant 5 : i32
      %mul3A_613 = arith.muli %add3A_440, %mul3A_612 : i32
      %add3A_614 = arith.constant 3 : i32
      %add3A_615 = arith.addi %mul3A_613, %add3A_614 : i32
      %get3A_616 = arith.index_cast %add3A_615 : i32 to index
      %get3A_617 = arith.constant 0 : index
      %get3A_618 = tpu.vector_load %arg10[%get3A_616, %get3A_617] {strides = array<i32>} : memref<640x128xf32, #tpu.memory_space<vmem>>, vector<16xf32>,
      %mul3A_619 = arith.mulf %get3A_618, %get3A_443 : vector<16xf32>
      %get3A_620 = arith.index_cast %add3A_615 : i32 to index
      %get3A_621 = arith.constant 16 : index
      %get3A_622 = tpu.vector_load %arg10[%get3A_620, %get3A_621] {strides = array<i32>} : memref<640x128xf32, #tpu.memory_space<vmem>>, vector<16xf32>,
      %mul3A_623 = arith.mulf %get3A_622, %get3A_446 : vector<16xf32>
      %get3A_624 = arith.index_cast %add3A_615 : i32 to index
      %get3A_625 = arith.constant 32 : index
      %get3A_626 = tpu.vector_load %arg10[%get3A_624, %get3A_625] {strides = array<i32>} : memref<640x128xf32, #tpu.memory_space<vmem>>, vector<16xf32>,
      %mul3A_627 = arith.mulf %get3A_626, %get3A_449 : vector<16xf32>
      %get3A_628 = arith.index_cast %add3A_615 : i32 to index
      %get3A_629 = arith.constant 48 : index
      %get3A_630 = tpu.vector_load %arg10[%get3A_628, %get3A_629] {strides = array<i32>} : memref<640x128xf32, #tpu.memory_space<vmem>>, vector<16xf32>,
      %mul3A_631 = arith.mulf %get3A_630, %get3A_452 : vector<16xf32>
      %get3A_632 = arith.index_cast %add3A_615 : i32 to index
      %get3A_633 = arith.constant 64 : index
      %get3A_634 = tpu.vector_load %arg10[%get3A_632, %get3A_633] {strides = array<i32>} : memref<640x128xf32, #tpu.memory_space<vmem>>, vector<16xf32>,
      %mul3A_635 = arith.mulf %get3A_634, %get3A_455 : vector<16xf32>
      %get3A_636 = arith.index_cast %add3A_615 : i32 to index
      %get3A_637 = arith.constant 80 : index
      %get3A_638 = tpu.vector_load %arg10[%get3A_636, %get3A_637] {strides = array<i32>} : memref<640x128xf32, #tpu.memory_space<vmem>>, vector<16xf32>,
      %mul3A_639 = arith.mulf %get3A_638, %get3A_458 : vector<16xf32>
      %get3A_640 = arith.index_cast %add3A_615 : i32 to index
      %get3A_641 = arith.constant 96 : index
      %get3A_642 = tpu.vector_load %arg10[%get3A_640, %get3A_641] {strides = array<i32>} : memref<640x128xf32, #tpu.memory_space<vmem>>, vector<16xf32>,
      %mul3A_643 = arith.mulf %get3A_642, %get3A_461 : vector<16xf32>
      %get3A_644 = arith.index_cast %add3A_615 : i32 to index
      %get3A_645 = arith.constant 112 : index
      %get3A_646 = tpu.vector_load %arg10[%get3A_644, %get3A_645] {strides = array<i32>} : memref<640x128xf32, #tpu.memory_space<vmem>>, vector<16xf32>,
      %mul3A_647 = arith.mulf %get3A_646, %get3A_464 : vector<16xf32>
      %add3A_648 = arith.addf %mul3A_619, %mul3A_623 : vector<16xf32>
      %add3A_649 = arith.addf %mul3A_627, %mul3A_631 : vector<16xf32>
      %add3A_650 = arith.addf %mul3A_635, %mul3A_639 : vector<16xf32>
      %add3A_651 = arith.addf %mul3A_643, %mul3A_647 : vector<16xf32>
      %add3A_652 = arith.addf %add3A_648, %add3A_649 : vector<16xf32>
      %add3A_653 = arith.addf %add3A_650, %add3A_651 : vector<16xf32>
      %add3A_654 = arith.addf %add3A_652, %add3A_653 : vector<16xf32>
      %add3A_655 = arith.constant 384 : i32
      %add3A_656 = arith.addi %add3A_655, %add3A_440 : i32
      %mul3A_657 = arith.constant 16 : i32
      %mul3A_658 = arith.muli %add3A_656, %mul3A_657 : i32
      %swap3A_659 = arith.index_cast %mul3A_658 : i32 to index
      %swap3A_660 = tpu.vector_load %arg11[%swap3A_659] {strides = array<i32>} : memref<10240xf32, #tpu.memory_space<vmem>>, vector<16xf32>,
      tpu.vector_store %arg11[%swap3A_659], %add3A_654 {strides = array<i32>} : memref<10240xf32, #tpu.memory_space<vmem>>, vector<16xf32>,
      %mul3A_661 = arith.constant 5 : i32
      %mul3A_662 = arith.muli %add3A_440, %mul3A_661 : i32
      %add3A_663 = arith.constant 4 : i32
      %add3A_664 = arith.addi %mul3A_662, %add3A_663 : i32
      %get3A_665 = arith.index_cast %add3A_664 : i32 to index
      %get3A_666 = arith.constant 0 : index
      %get3A_667 = tpu.vector_load %arg10[%get3A_665, %get3A_666] {strides = array<i32>} : memref<640x128xf32, #tpu.memory_space<vmem>>, vector<16xf32>,
      %mul3A_668 = arith.mulf %get3A_667, %get3A_443 : vector<16xf32>
      %get3A_669 = arith.index_cast %add3A_664 : i32 to index
      %get3A_670 = arith.constant 16 : index
      %get3A_671 = tpu.vector_load %arg10[%get3A_669, %get3A_670] {strides = array<i32>} : memref<640x128xf32, #tpu.memory_space<vmem>>, vector<16xf32>,
      %mul3A_672 = arith.mulf %get3A_671, %get3A_446 : vector<16xf32>
      %get3A_673 = arith.index_cast %add3A_664 : i32 to index
      %get3A_674 = arith.constant 32 : index
      %get3A_675 = tpu.vector_load %arg10[%get3A_673, %get3A_674] {strides = array<i32>} : memref<640x128xf32, #tpu.memory_space<vmem>>, vector<16xf32>,
      %mul3A_676 = arith.mulf %get3A_675, %get3A_449 : vector<16xf32>
      %get3A_677 = arith.index_cast %add3A_664 : i32 to index
      %get3A_678 = arith.constant 48 : index
      %get3A_679 = tpu.vector_load %arg10[%get3A_677, %get3A_678] {strides = array<i32>} : memref<640x128xf32, #tpu.memory_space<vmem>>, vector<16xf32>,
      %mul3A_680 = arith.mulf %get3A_679, %get3A_452 : vector<16xf32>
      %get3A_681 = arith.index_cast %add3A_664 : i32 to index
      %get3A_682 = arith.constant 64 : index
      %get3A_683 = tpu.vector_load %arg10[%get3A_681, %get3A_682] {strides = array<i32>} : memref<640x128xf32, #tpu.memory_space<vmem>>, vector<16xf32>,
      %mul3A_684 = arith.mulf %get3A_683, %get3A_455 : vector<16xf32>
      %get3A_685 = arith.index_cast %add3A_664 : i32 to index
      %get3A_686 = arith.constant 80 : index
      %get3A_687 = tpu.vector_load %arg10[%get3A_685, %get3A_686] {strides = array<i32>} : memref<640x128xf32, #tpu.memory_space<vmem>>, vector<16xf32>,
      %mul3A_688 = arith.mulf %get3A_687, %get3A_458 : vector<16xf32>
      %get3A_689 = arith.index_cast %add3A_664 : i32 to index
      %get3A_690 = arith.constant 96 : index
      %get3A_691 = tpu.vector_load %arg10[%get3A_689, %get3A_690] {strides = array<i32>} : memref<640x128xf32, #tpu.memory_space<vmem>>, vector<16xf32>,
      %mul3A_692 = arith.mulf %get3A_691, %get3A_461 : vector<16xf32>
      %get3A_693 = arith.index_cast %add3A_664 : i32 to index
      %get3A_694 = arith.constant 112 : index
      %get3A_695 = tpu.vector_load %arg10[%get3A_693, %get3A_694] {strides = array<i32>} : memref<640x128xf32, #tpu.memory_space<vmem>>, vector<16xf32>,
      %mul3A_696 = arith.mulf %get3A_695, %get3A_464 : vector<16xf32>
      %add3A_697 = arith.addf %mul3A_668, %mul3A_672 : vector<16xf32>
      %add3A_698 = arith.addf %mul3A_676, %mul3A_680 : vector<16xf32>
      %add3A_699 = arith.addf %mul3A_684, %mul3A_688 : vector<16xf32>
      %add3A_700 = arith.addf %mul3A_692, %mul3A_696 : vector<16xf32>
      %add3A_701 = arith.addf %add3A_697, %add3A_698 : vector<16xf32>
      %add3A_702 = arith.addf %add3A_699, %add3A_700 : vector<16xf32>
      %add3A_703 = arith.addf %add3A_701, %add3A_702 : vector<16xf32>
      %add3A_704 = arith.constant 512 : i32
      %add3A_705 = arith.addi %add3A_704, %add3A_440 : i32
      %mul3A_706 = arith.constant 16 : i32
      %mul3A_707 = arith.muli %add3A_705, %mul3A_706 : i32
      %swap3A_708 = arith.index_cast %mul3A_707 : i32 to index
      %swap3A_709 = tpu.vector_load %arg11[%swap3A_708] {strides = array<i32>} : memref<10240xf32, #tpu.memory_space<vmem>>, vector<16xf32>,
      tpu.vector_store %arg11[%swap3A_708], %add3A_703 {strides = array<i32>} : memref<10240xf32, #tpu.memory_space<vmem>>, vector<16xf32>,
    }
    %scan3A_45 = arith.constant 64 : i32
    %iota3A = tpu.iota {dimensions = array<i32: 0>} : vector<16xi32>
    %mul3A_46 = arith.constant 16 : i32
    %mul3A_47 = vector.broadcast %mul3A_46 : i32 to vector<16xi32>
    %mul3A_48 = arith.muli %iota3A, %mul3A_47 : vector<16xi32>
    %add3A_49 = arith.constant 0 : i32
    %add3A_50 = vector.broadcast %add3A_49 : i32 to vector<16xi32>
    %add3A_51 = arith.addi %mul3A_48, %add3A_50 : vector<16xi32>
    %mul3A_52 = arith.constant 16 : i32
    %mul3A_53 = vector.broadcast %mul3A_52 : i32 to vector<16xi32>
    %mul3A_54 = arith.muli %iota3A, %mul3A_53 : vector<16xi32>
    %add3A_55 = arith.constant 1 : i32
    %add3A_56 = vector.broadcast %add3A_55 : i32 to vector<16xi32>
    %add3A_57 = arith.addi %mul3A_54, %add3A_56 : vector<16xi32>
    %mul3A_58 = arith.constant 16 : i32
    %mul3A_59 = vector.broadcast %mul3A_58 : i32 to vector<16xi32>
    %mul3A_60 = arith.muli %iota3A, %mul3A_59 : vector<16xi32>
    %add3A_61 = arith.constant 2 : i32
    %add3A_62 = vector.broadcast %add3A_61 : i32 to vector<16xi32>
    %add3A_63 = arith.addi %mul3A_60, %add3A_62 : vector<16xi32>
    %mul3A_64 = arith.constant 16 : i32
    %mul3A_65 = vector.broadcast %mul3A_64 : i32 to vector<16xi32>
    %mul3A_66 = arith.muli %iota3A, %mul3A_65 : vector<16xi32>
    %add3A_67 = arith.constant 3 : i32
    %add3A_68 = vector.broadcast %add3A_67 : i32 to vector<16xi32>
    %add3A_69 = arith.addi %mul3A_66, %add3A_68 : vector<16xi32>
    %mul3A_70 = arith.constant 16 : i32
    %mul3A_71 = vector.broadcast %mul3A_70 : i32 to vector<16xi32>
    %mul3A_72 = arith.muli %iota3A, %mul3A_71 : vector<16xi32>
    %add3A_73 = arith.constant 4 : i32
    %add3A_74 = vector.broadcast %add3A_73 : i32 to vector<16xi32>
    %add3A_75 = arith.addi %mul3A_72, %add3A_74 : vector<16xi32>
    %mul3A_76 = arith.constant 16 : i32
    %mul3A_77 = vector.broadcast %mul3A_76 : i32 to vector<16xi32>
    %mul3A_78 = arith.muli %iota3A, %mul3A_77 : vector<16xi32>
    %add3A_79 = arith.constant 5 : i32
    %add3A_80 = vector.broadcast %add3A_79 : i32 to vector<16xi32>
    %add3A_81 = arith.addi %mul3A_78, %add3A_80 : vector<16xi32>
    %mul3A_82 = arith.constant 16 : i32
    %mul3A_83 = vector.broadcast %mul3A_82 : i32 to vector<16xi32>
    %mul3A_84 = arith.muli %iota3A, %mul3A_83 : vector<16xi32>
    %add3A_85 = arith.constant 6 : i32
    %add3A_86 = vector.broadcast %add3A_85 : i32 to vector<16xi32>
    %add3A_87 = arith.addi %mul3A_84, %add3A_86 : vector<16xi32>
    %mul3A_88 = arith.constant 16 : i32
    %mul3A_89 = vector.broadcast %mul3A_88 : i32 to vector<16xi32>
    %mul3A_90 = arith.muli %iota3A, %mul3A_89 : vector<16xi32>
    %add3A_91 = arith.constant 7 : i32
    %add3A_92 = vector.broadcast %add3A_91 : i32 to vector<16xi32>
    %add3A_93 = arith.addi %mul3A_90, %add3A_92 : vector<16xi32>
    %mul3A_94 = arith.constant 16 : i32
    %mul3A_95 = vector.broadcast %mul3A_94 : i32 to vector<16xi32>
    %mul3A_96 = arith.muli %iota3A, %mul3A_95 : vector<16xi32>
    %add3A_97 = arith.constant 8 : i32
    %add3A_98 = vector.broadcast %add3A_97 : i32 to vector<16xi32>
    %add3A_99 = arith.addi %mul3A_96, %add3A_98 : vector<16xi32>
    %mul3A_100 = arith.constant 16 : i32
    %mul3A_101 = vector.broadcast %mul3A_100 : i32 to vector<16xi32>
    %mul3A_102 = arith.muli %iota3A, %mul3A_101 : vector<16xi32>
    %add3A_103 = arith.constant 9 : i32
    %add3A_104 = vector.broadcast %add3A_103 : i32 to vector<16xi32>
    %add3A_105 = arith.addi %mul3A_102, %add3A_104 : vector<16xi32>
    %mul3A_106 = arith.constant 16 : i32
    %mul3A_107 = vector.broadcast %mul3A_106 : i32 to vector<16xi32>
    %mul3A_108 = arith.muli %iota3A, %mul3A_107 : vector<16xi32>
    %add3A_109 = arith.constant 10 : i32
    %add3A_110 = vector.broadcast %add3A_109 : i32 to vector<16xi32>
    %add3A_111 = arith.addi %mul3A_108, %add3A_110 : vector<16xi32>
    %mul3A_112 = arith.constant 16 : i32
    %mul3A_113 = vector.broadcast %mul3A_112 : i32 to vector<16xi32>
    %mul3A_114 = arith.muli %iota3A, %mul3A_113 : vector<16xi32>
    %add3A_115 = arith.constant 11 : i32
    %add3A_116 = vector.broadcast %add3A_115 : i32 to vector<16xi32>
    %add3A_117 = arith.addi %mul3A_114, %add3A_116 : vector<16xi32>
    %mul3A_118 = arith.constant 16 : i32
    %mul3A_119 = vector.broadcast %mul3A_118 : i32 to vector<16xi32>
    %mul3A_120 = arith.muli %iota3A, %mul3A_119 : vector<16xi32>
    %add3A_121 = arith.constant 12 : i32
    %add3A_122 = vector.broadcast %add3A_121 : i32 to vector<16xi32>
    %add3A_123 = arith.addi %mul3A_120, %add3A_122 : vector<16xi32>
    %mul3A_124 = arith.constant 16 : i32
    %mul3A_125 = vector.broadcast %mul3A_124 : i32 to vector<16xi32>
    %mul3A_126 = arith.muli %iota3A, %mul3A_125 : vector<16xi32>
    %add3A_127 = arith.constant 13 : i32
    %add3A_128 = vector.broadcast %add3A_127 : i32 to vector<16xi32>
    %add3A_129 = arith.addi %mul3A_126, %add3A_128 : vector<16xi32>
    %mul3A_130 = arith.constant 16 : i32
    %mul3A_131 = vector.broadcast %mul3A_130 : i32 to vector<16xi32>
    %mul3A_132 = arith.muli %iota3A, %mul3A_131 : vector<16xi32>
    %add3A_133 = arith.constant 14 : i32
    %add3A_134 = vector.broadcast %add3A_133 : i32 to vector<16xi32>
    %add3A_135 = arith.addi %mul3A_132, %add3A_134 : vector<16xi32>
    %mul3A_136 = arith.constant 16 : i32
    %mul3A_137 = vector.broadcast %mul3A_136 : i32 to vector<16xi32>
    %mul3A_138 = arith.muli %iota3A, %mul3A_137 : vector<16xi32>
    %add3A_139 = arith.constant 15 : i32
    %add3A_140 = vector.broadcast %add3A_139 : i32 to vector<16xi32>
    %add3A_141 = arith.addi %mul3A_138, %add3A_140 : vector<16xi32>
    %scan3A_142 = arith.constant 0 : i32
    %scan3A_143 = arith.constant 0 : i32
    %scan3A_144 = arith.constant 40 : i32
    %scan3A_145 = arith.addi %scan3A_143, %scan3A_144 : i32
    %scan3A_146 = arith.constant 1 : i32
    scf.for %scan3A_148 = %scan3A_143 to %scan3A_145 step %scan3A_146  : i32 {
      %mul3A_149 = arith.constant 256 : i32
      %mul3A_150 = arith.muli %scan3A_148, %mul3A_149 : i32
      %gather3A = tpu.memref_slice %arg11[%mul3A_150] : memref<10240xf32, #tpu.memory_space<vmem>> -> memref<256xf32, #tpu.memory_space<vmem>>
      %gather3A_151 = tpu.vector_load_idx %gather3A[%add3A_51] : memref<256xf32, #tpu.memory_space<vmem>>[vector<16xi32>], vector<16xf32>,
      %gather3A_152 = tpu.memref_slice %arg11[%mul3A_150] : memref<10240xf32, #tpu.memory_space<vmem>> -> memref<256xf32, #tpu.memory_space<vmem>>
      %gather3A_153 = tpu.vector_load_idx %gather3A_152[%add3A_57] : memref<256xf32, #tpu.memory_space<vmem>>[vector<16xi32>], vector<16xf32>,
      %gather3A_154 = tpu.memref_slice %arg11[%mul3A_150] : memref<10240xf32, #tpu.memory_space<vmem>> -> memref<256xf32, #tpu.memory_space<vmem>>
      %gather3A_155 = tpu.vector_load_idx %gather3A_154[%add3A_63] : memref<256xf32, #tpu.memory_space<vmem>>[vector<16xi32>], vector<16xf32>,
      %gather3A_156 = tpu.memref_slice %arg11[%mul3A_150] : memref<10240xf32, #tpu.memory_space<vmem>> -> memref<256xf32, #tpu.memory_space<vmem>>
      %gather3A_157 = tpu.vector_load_idx %gather3A_156[%add3A_69] : memref<256xf32, #tpu.memory_space<vmem>>[vector<16xi32>], vector<16xf32>,
      %gather3A_158 = tpu.memref_slice %arg11[%mul3A_150] : memref<10240xf32, #tpu.memory_space<vmem>> -> memref<256xf32, #tpu.memory_space<vmem>>
      %gather3A_159 = tpu.vector_load_idx %gather3A_158[%add3A_75] : memref<256xf32, #tpu.memory_space<vmem>>[vector<16xi32>], vector<16xf32>,
      %gather3A_160 = tpu.memref_slice %arg11[%mul3A_150] : memref<10240xf32, #tpu.memory_space<vmem>> -> memref<256xf32, #tpu.memory_space<vmem>>
      %gather3A_161 = tpu.vector_load_idx %gather3A_160[%add3A_81] : memref<256xf32, #tpu.memory_space<vmem>>[vector<16xi32>], vector<16xf32>,
      %gather3A_162 = tpu.memref_slice %arg11[%mul3A_150] : memref<10240xf32, #tpu.memory_space<vmem>> -> memref<256xf32, #tpu.memory_space<vmem>>
      %gather3A_163 = tpu.vector_load_idx %gather3A_162[%add3A_87] : memref<256xf32, #tpu.memory_space<vmem>>[vector<16xi32>], vector<16xf32>,
      %gather3A_164 = tpu.memref_slice %arg11[%mul3A_150] : memref<10240xf32, #tpu.memory_space<vmem>> -> memref<256xf32, #tpu.memory_space<vmem>>
      %gather3A_165 = tpu.vector_load_idx %gather3A_164[%add3A_93] : memref<256xf32, #tpu.memory_space<vmem>>[vector<16xi32>], vector<16xf32>,
      %gather3A_166 = tpu.memref_slice %arg11[%mul3A_150] : memref<10240xf32, #tpu.memory_space<vmem>> -> memref<256xf32, #tpu.memory_space<vmem>>
      %gather3A_167 = tpu.vector_load_idx %gather3A_166[%add3A_99] : memref<256xf32, #tpu.memory_space<vmem>>[vector<16xi32>], vector<16xf32>,
      %gather3A_168 = tpu.memref_slice %arg11[%mul3A_150] : memref<10240xf32, #tpu.memory_space<vmem>> -> memref<256xf32, #tpu.memory_space<vmem>>
      %gather3A_169 = tpu.vector_load_idx %gather3A_168[%add3A_105] : memref<256xf32, #tpu.memory_space<vmem>>[vector<16xi32>], vector<16xf32>,
      %gather3A_170 = tpu.memref_slice %arg11[%mul3A_150] : memref<10240xf32, #tpu.memory_space<vmem>> -> memref<256xf32, #tpu.memory_space<vmem>>
      %gather3A_171 = tpu.vector_load_idx %gather3A_170[%add3A_111] : memref<256xf32, #tpu.memory_space<vmem>>[vector<16xi32>], vector<16xf32>,
      %gather3A_172 = tpu.memref_slice %arg11[%mul3A_150] : memref<10240xf32, #tpu.memory_space<vmem>> -> memref<256xf32, #tpu.memory_space<vmem>>
      %gather3A_173 = tpu.vector_load_idx %gather3A_172[%add3A_117] : memref<256xf32, #tpu.memory_space<vmem>>[vector<16xi32>], vector<16xf32>,
      %gather3A_174 = tpu.memref_slice %arg11[%mul3A_150] : memref<10240xf32, #tpu.memory_space<vmem>> -> memref<256xf32, #tpu.memory_space<vmem>>
      %gather3A_175 = tpu.vector_load_idx %gather3A_174[%add3A_123] : memref<256xf32, #tpu.memory_space<vmem>>[vector<16xi32>], vector<16xf32>,
      %gather3A_176 = tpu.memref_slice %arg11[%mul3A_150] : memref<10240xf32, #tpu.memory_space<vmem>> -> memref<256xf32, #tpu.memory_space<vmem>>
      %gather3A_177 = tpu.vector_load_idx %gather3A_176[%add3A_129] : memref<256xf32, #tpu.memory_space<vmem>>[vector<16xi32>], vector<16xf32>,
      %gather3A_178 = tpu.memref_slice %arg11[%mul3A_150] : memref<10240xf32, #tpu.memory_space<vmem>> -> memref<256xf32, #tpu.memory_space<vmem>>
      %gather3A_179 = tpu.vector_load_idx %gather3A_178[%add3A_135] : memref<256xf32, #tpu.memory_space<vmem>>[vector<16xi32>], vector<16xf32>,
      %gather3A_180 = tpu.memref_slice %arg11[%mul3A_150] : memref<10240xf32, #tpu.memory_space<vmem>> -> memref<256xf32, #tpu.memory_space<vmem>>
      %gather3A_181 = tpu.vector_load_idx %gather3A_180[%add3A_141] : memref<256xf32, #tpu.memory_space<vmem>>[vector<16xi32>], vector<16xf32>,
      %add3A_182 = arith.addf %gather3A_151, %gather3A_153 : vector<16xf32>
      %add3A_183 = arith.addf %gather3A_155, %gather3A_157 : vector<16xf32>
      %add3A_184 = arith.addf %gather3A_159, %gather3A_161 : vector<16xf32>
      %add3A_185 = arith.addf %gather3A_163, %gather3A_165 : vector<16xf32>
      %add3A_186 = arith.addf %gather3A_167, %gather3A_169 : vector<16xf32>
      %add3A_187 = arith.addf %gather3A_171, %gather3A_173 : vector<16xf32>
      %add3A_188 = arith.addf %gather3A_175, %gather3A_177 : vector<16xf32>
      %add3A_189 = arith.addf %gather3A_179, %gather3A_181 : vector<16xf32>
      %add3A_190 = arith.addf %add3A_182, %add3A_183 : vector<16xf32>
      %add3A_191 = arith.addf %add3A_184, %add3A_185 : vector<16xf32>
      %add3A_192 = arith.addf %add3A_186, %add3A_187 : vector<16xf32>
      %add3A_193 = arith.addf %add3A_188, %add3A_189 : vector<16xf32>
      %add3A_194 = arith.addf %add3A_190, %add3A_191 : vector<16xf32>
      %add3A_195 = arith.addf %add3A_192, %add3A_193 : vector<16xf32>
      %add3A_196 = arith.addf %add3A_194, %add3A_195 : vector<16xf32>
      %and3A = arith.constant 7 : i32
      %and3A_197 = arith.andi %scan3A_148, %and3A : i32
      %shift_left3A = arith.constant 4 : i32
      %shift_left3A_198 = arith.shli %and3A_197, %shift_left3A : i32
      %add3A_199 = vector.broadcast %shift_left3A_198 : i32 to vector<16xi32>
      %add3A_200 = arith.addi %add3A_199, %iota3A : vector<16xi32>
      %broadcast_in_dim3A = arith.constant 0 : i32
      %broadcast_in_dim3A_201 = vector.broadcast %broadcast_in_dim3A : i32 to vector<16xi32>
      %shift_right_arithmetic3A = arith.constant 3 : i32
      %shift_right_arithmetic3A_202 = arith.shrsi %scan3A_148, %shift_right_arithmetic3A : i32
      %add3A_203 = vector.broadcast %shift_right_arithmetic3A_202 : i32 to vector<16xi32>
      %add3A_204 = arith.addi %broadcast_in_dim3A_201, %add3A_203 : vector<16xi32>
      tpu.vector_store_idx %arg12[%add3A_200, %add3A_204], %add3A_196 : memref<128x5xf32, #tpu.memory_space<vmem>>[vector<16xi32>, vector<16xi32>], vector<16xf32>,
    }
    %scan3A_147 = arith.constant 40 : i32
    "tpu.region"() ({
      %run_scoped3A = tpu.sem_alloc : memref<!tpu.dma_semaphore, #tpu.memory_space<semaphore_mem>>
      %dma_start3A_148 = arith.constant 0 : i32
      %dma_start3A_149 = tpu.memref_slice %arg6[%mul3A_2, %dma_start3A_148] : memref<4096x5xf32, #tpu.memory_space<hbm>> -> memref<128x5xf32, #tpu.memory_space<hbm>>
      %dma_start3A_150 = arith.constant 0 : i32
      %dma_start3A_151 = tpu.memref_slice %arg6[%mul3A_2, %dma_start3A_150] : memref<4096x5xf32, #tpu.memory_space<hbm>> -> memref<128x5xf32, #tpu.memory_space<hbm>>
      tpu.enqueue_dma source(%arg12 : memref<128x5xf32, #tpu.memory_space<vmem>>) target(%dma_start3A_151 : memref<128x5xf32, #tpu.memory_space<hbm>>) target_semaphore(%run_scoped3A : memref<!tpu.dma_semaphore, #tpu.memory_space<semaphore_mem>>)
      %dma_wait3A_152 = arith.constant 0 : i32
      %dma_wait3A_153 = tpu.memref_slice %arg6[%mul3A_2, %dma_wait3A_152] : memref<4096x5xf32, #tpu.memory_space<hbm>> -> memref<128x5xf32, #tpu.memory_space<hbm>>
      %dma_wait3A_154 = arith.constant 0 : i32
      %dma_wait3A_155 = tpu.memref_slice %arg6[%mul3A_2, %dma_wait3A_154] : memref<4096x5xf32, #tpu.memory_space<hbm>> -> memref<128x5xf32, #tpu.memory_space<hbm>>
      tpu.wait_dma2 semaphore(%run_scoped3A : memref<!tpu.dma_semaphore, #tpu.memory_space<semaphore_mem>>) src(%arg12 : memref<128x5xf32, #tpu.memory_space<vmem>>) dst(%dma_wait3A_155 : memref<128x5xf32, #tpu.memory_space<hbm>>)
      tpu.yield
    }) : () -> ()
    return
  }
}

</mosaic_0001>

<sc_bundles>
// kernel: _act2vec_sc.3.cloned.1.call-start
scs
__scs_entry_jumppad:
0x0: {  	(pc) =	sbr.rel $0x88, $3  }
0x1: {  	(tag) =	ssettag $0x0;
	lr =	simm.s32 $0x1  }
0x2: {  	[smem:$0x3F9D] =	sst lr;
	_ =	strace $0xD0000000  }
0x3: {  	_ = 	snop  }
0x4: {  	_ = 	snop  }
0x5: {  	_ = 	snop  }
0x6: {  	_ = 	snop  }
0x7: {  	_ = 	snop  }
__scs_overlays_trampoline_lowered:
0x8: {  	[smem:$0x3FAC] =	sst s0  }
0x9: {  	[smem:$0x3FAD] =	sst s1  }
0xa: {  	[smem:$0x3FAE] =	sst s2  }
0xb: {  	[smem:$0x3FAF] =	sst s3  }
0xc: {  	[smem:$0x3FB0] =	sst s4  }
0xd: {  	[smem:$0x3FB1] =	sst s5  }
0xe: {  	[smem:$0x3FB2] =	sst s6  }
0xf: {  	[smem:$0x3FB3] =	sst s7  }
0x10: {  	[smem:$0x3FB4] =	sst s8  }
0x11: {  	[smem:$0x3FB5] =	sst s9;
	s0 =	simm.s32 @!p0 $0x0  }
0x12: {  	s1 =	sld [smem:$0x3F9B];
	s0 =	simm.s32 @p0 $0x1  }
0x13: {  	[smem:$0x3FB6] =	sst s0;
	s0 =	simm.s32 @!p1 $0x0  }
0x14: {  	s2 =	sld [smem:$0x3F9A];
	s0 =	simm.s32 @p1 $0x1  }
0x15: {  	[smem:$0x3FB7] =	sst s0;
	s0 =	simm.s32 @!p2 $0x0  }
0x16: {  	s3 =	sld [smem:$0x3FDB];
	s0 =	simm.s32 @p2 $0x1  }
0x17: {  	s4 =	simm.s32 $0x1BF5;
	[smem:$0x3FB9] =	sst s0  }
0x18: {  	s0 =	sld [smem:$0x3F9C];
	_ =	swait.ge [sflag:s4], $0x0  }
0x19: {  	s7 =	sld [smem:$0x3F9D]  }
0x1a: {  	s8 =	sadd.s32 $0xFFFFE003, lr  }
0x1b: {  	s9 =	sadd.s32 $0xFFFFFEF7, lr;
	s5 =	simm.s32 $0xFFFFFFFF;
	p2 =	slt.u32 s8, $0xFFFFF086  }
0x1c: {  	p1 =	slt.u32 s9, $0xF7A;
	s5 =	simm.s32 @!p2 $0x0  }
0x1d: {  	s5 =	simm.s32 @p1 $0x1;
	p0 =	seq.s32 s7, s2  }
0x1e: {  	s7 =	smul.u32 @!p0 $0xF7A, s2;
	p2 =	seq.s32 @!p0 s5, $0x0  }
0x1f: {  	s9 =	smul.u32 $0xF7A, s1;
	s8 =	simm.s32 @!p0 $0x1BF5;
	p2 =	por !p2, p0  }
0x20: {  	[sflag:s8] =	ssyncset.s32 @!p0 $0xFFFFF086;
	s6 =	sadd.s32 @!p0 s3, s7;
	s7 =	simm.s32 @!p0 $0x108  }
0x21: {  	s3 =	sadd.s32 s3, s9;
	s6 =	sadd.s32 @!p0 $0x88, s6;
	s7 =	simm.s32 @p2 $0x1082  }
0x22: {  	[simem:s7], [sflag:s8] =	dma.local @!p0 [hbm:s6], $0xF7A  }
0x23: {  	s9 =	sor.u32 $0xD0000000, s2;
	s6 =	simm.s32 $0x108;
	_ =	swait.ge @!p0 [sflag:s8], $0x0  }
0x24: {  	s3 =	sadd.s32 $0x88, s3;
	s6 =	simm.s32 @!p1 $0x1082;
	[sflag:s4] =	ssyncset.s32 $0xFFFFF086  }
0x25: {  	[simem:s6], [sflag:s4] =	dma.local [hbm:s3], $0xF7A  }
0x26: {  	[smem:$0x3F9D] =	sst s1;
	(tag) =	ssettag s2;
	_ =	strace s9  }
0x27: {  	s1 =	sld [smem:$0x3FAD]  }
0x28: {  	s2 =	sld [smem:$0x3FAE]  }
0x29: {  	s4 =	sld [smem:$0x3FB0]  }
0x2a: {  	p0 =	seq.s32 s5, $0x0;
	s5 =	sld [smem:$0x3FB1]  }
0x2b: {  	s6 =	sld [smem:$0x3FB2]  }
0x2c: {  	s7 =	sld [smem:$0x3FB3]  }
0x2d: {  	s3 =	simm.s32 $0x108;
	s8 =	sld [smem:$0x3FB4]  }
0x2e: {  	s3 =	simm.s32 @!p0 $0x1082;
	s9 =	sld [smem:$0x3FB5]  }
0x2f: {  	lr =	sadd.s32 s0, s3;
	s0 =	sld [smem:$0x3FAC]  }
0x30: {  	s3 =	sld [smem:$0x3FAF]  }
0x31: {  	[smem:$0x3FB8] =	sst s10  }
0x32: {  	s10 =	sld [smem:$0x3FB6];
	_ =	sdelay $0x3  }
0x33: {  	p0 =	seq.s32 s10, $0x1;
	s10 =	sld [smem:$0x3FB8];
	_ =	sdelay $0x3  }
0x34: {  	[smem:$0x3FB8] =	sst s10  }
0x35: {  	s10 =	sld [smem:$0x3FB7];
	_ =	sdelay $0x3  }
0x36: {  	p1 =	seq.s32 s10, $0x1;
	s10 =	sld [smem:$0x3FB8];
	_ =	sdelay $0x3  }
0x37: {  	[smem:$0x3FB8] =	sst s10  }
0x38: {  	s10 =	sld [smem:$0x3FB9]  }
0x39: {  	_ = 	snop;
	(pc) =	sbr.ind lr, $3  }
0x3a: {  	_ = 	snop  }
0x3b: {  	_ = 	snop  }
0x3c: {  	p2 =	seq.s32 s10, $0x1;
	s10 =	sld [smem:$0x3FB8]  }
0x3d: {  	_ =	shalt  }
0x3e: {  	_ =	shalt  }
0x3f: {  	_ =	shalt  }
0x40: {  	_ =	shalt  }
0x41: {  	_ =	shalt  }
0x42: {  	_ =	shalt  }
0x43: {  	_ =	shalt  }
0x44: {  	_ =	shalt  }
0x45: {  	_ =	shalt  }
0x46: {  	_ =	shalt  }
0x47: {  	_ =	shalt  }
0x48: {  	_ =	shalt  }
0x49: {  	_ =	shalt  }
0x4a: {  	_ =	shalt  }
0x4b: {  	_ =	shalt  }
0x4c: {  	_ =	shalt  }
0x4d: {  	_ =	shalt  }
0x4e: {  	_ =	shalt  }
0x4f: {  	_ =	shalt  }
0x50: {  	_ =	shalt  }
0x51: {  	_ =	shalt  }
0x52: {  	_ =	shalt  }
0x53: {  	_ =	shalt  }
0x54: {  	_ =	shalt  }
0x55: {  	_ =	shalt  }
0x56: {  	_ =	shalt  }
0x57: {  	_ =	shalt  }
0x58: {  	_ =	shalt  }
0x59: {  	_ =	shalt  }
0x5a: {  	_ =	shalt  }
0x5b: {  	_ =	shalt  }
0x5c: {  	_ =	shalt  }
0x5d: {  	_ =	shalt  }
0x5e: {  	_ =	shalt  }
0x5f: {  	_ =	shalt  }
0x60: {  	_ =	shalt  }
0x61: {  	_ =	shalt  }
0x62: {  	_ =	shalt  }
0x63: {  	_ =	shalt  }
0x64: {  	_ =	shalt  }
0x65: {  	_ =	shalt  }
0x66: {  	_ =	shalt  }
0x67: {  	_ =	shalt  }
0x68: {  	_ =	shalt  }
0x69: {  	_ =	shalt  }
0x6a: {  	_ =	shalt  }
0x6b: {  	_ =	shalt  }
0x6c: {  	_ =	shalt  }
0x6d: {  	_ =	shalt  }
0x6e: {  	_ =	shalt  }
0x6f: {  	_ =	shalt  }
0x70: {  	_ =	shalt  }
0x71: {  	_ =	shalt  }
0x72: {  	_ =	shalt  }
0x73: {  	_ =	shalt  }
0x74: {  	_ =	shalt  }
0x75: {  	_ =	shalt  }
0x76: {  	_ =	shalt  }
0x77: {  	_ =	shalt  }
0x78: {  	_ =	shalt  }
0x79: {  	_ =	shalt  }
0x7a: {  	_ =	shalt  }
0x7b: {  	_ =	shalt  }
0x7c: {  	_ =	shalt  }
0x7d: {  	_ =	shalt  }
0x7e: {  	_ =	shalt  }
0x7f: {  	_ =	shalt  }
0x80: {  	_ =	shalt  }
0x81: {  	_ =	shalt  }
0x82: {  	_ =	shalt  }
0x83: {  	_ =	shalt  }
0x84: {  	_ =	shalt  }
0x85: {  	_ =	shalt  }
0x86: {  	_ =	shalt  }
0x87: {  	_ =	shalt  }
.Lfunc_end0:
.L_simem_size_0:
called_computation_lowered:
.L_overlay_start_0:
0x88: {  	s2 =	sld [smem:$0x3FD9]  }
0x89: {  	s3 =	sld [smem:$0x3FFE];
	_ =	sdelay $0x1  }
0x8a: {  	s1 =	srdreg.scid  }
0x8b: {  	s0 =	sand.u32 $0x1, s1  }
0x8c: {  	s18 =	sshll.u32 s0, $0xA;
	s2 =	sadd.s32 s3, s2  }
0x8d: {  	s2 =	sadd.s32 s2, s18  }
0x8e: {  	[smem:$0x3FC4] =	sst s2  }
0x8f: {  	_ = 	snop  }
0x90: {  	s2 =	sld [smem:$0x3FC9]  }
0x91: {  	s19 =	sld [smem:$0x3FC8]  }
0x92: {  	s4 =	sld [smem:$0x3FC7]  }
0x93: {  	s5 =	sld [smem:$0x3FC6]  }
0x94: {  	s6 =	sld [smem:$0x3FD0];
	(tm) =	ssettm $0x1  }
0x95: {  	s7 =	sld [smem:$0x3FFB];
	_ =	sdelay $0x3  }
0x96: {  	_ =	strace s7  }
0x97: {  	s7 =	sld [smem:$0x3FFC];
	_ =	sdelay $0x3  }
0x98: {  	_ =	strace s7  }
0x99: {  	s7 =	sld [smem:$0x3FFD];
	_ =	sdelay $0x3  }
0x9a: {  	_ =	strace s7  }
0x9b: {  	_ =	strace $0x8FFFFFFF  }
0x9c: {  	s20 =	sld [smem:$0x3FDB];
	_ =	sdelay $0x1  }
0x9d: {  	s8 =	simm.s32 $_scs_section_size  }
0x9e: {  	s9 =	simm.s32 $_size__tile_overlayer_lowered;
	s10 =	simm.s32 $_tile_overlayer_lowered  }
0x9f: {  	s23 =	simm.s32 $0x1BFF;
	s22 =	sshll.u32 s10, $0x1;
	s7 =	sadd.s32 s8, s20  }
0xa0: {  	s11 =	simm.s32 $0x0;
	s21 =	sshll.u32 s9, $0x1;
	s9 =	sadd.s32 s22, s7  }
0xa1: {  	[timem:s11], [sflag:s23] =	dma.local [hbm:s9], s21  }
0xa2: {  	_ =	swait.ge [sflag:s23], s21  }
0xa3: {  	s8 =	ssub.s32 $0x0, s21;
	[sflag:s23] =	ssyncset.done $0x0  }
0xa4: {  	[sflag:s23] =	ssyncadd.s32 s8;
	_ =	sdelay $0x1  }
0xa5: {  	s24 =	simm.s32 $0x1B8B  }
0xa6: {  	_ =	swait.ge [sflag:s24], $0x1  }
0xa7: {  	[sflag:s24] =	ssyncset.done $0x0  }
0xa8: {  	s25 =	simm.s32 $0x1B8E;
	[sflag:s24] =	ssyncadd.s32 $0xFFFFFFFF  }
0xa9: {  	s26 =	simm.s32 $execute0_lowered;
	[smem:$0x3FD2] =	sst s25  }
0xaa: {  	s8 =	sshll.u32 s26, $0x1;
	_ =	strace $0x80000046;
	[dreg:$0x1] =	wrdreg $0xFFFFFFFF  }
0xab: {  	s28 =	simm.s32 $_size_execute0_lowered;
	s7 =	sadd.s32 s7, s8;
	[dreg:$0x0] =	wrdreg $0x0  }
0xac: {  	s8 =	sshll.u32 s28, $0x1;
	[dreg:$0x2] =	wrdreg s7  }
0xad: {  	[dreg:$0x3] =	wrdreg s8  }
0xae: {  	[dreg:$0x4] =	wrdreg $0xC0  }
0xaf: {  	_ =	task [dreg:s11], $0x5FFFF  }
0xb0: {  	[dreg:$0x1] =	wrdreg $0xFFFFFFFF  }
0xb1: {  	[dreg:$0x0] =	wrdreg $0x60  }
0xb2: {  	[dreg:$0x2] =	wrdreg s2  }
0xb3: {  	[dreg:$0x3] =	wrdreg s19  }
0xb4: {  	[dreg:$0x4] =	wrdreg s4  }
0xb5: {  	[dreg:$0x5] =	wrdreg s5  }
0xb6: {  	[dreg:$0x6] =	wrdreg s6  }
0xb7: {  	[dreg:$0x7] =	wrdreg $0x9  }
0xb8: {  	_ =	task.clear_ibuf [dreg:s11], $0x8FFFF;
	_ =	strace $0x90000046  }
0xb9: {  	s29 =	simm.s32 $0x9;
	_ =	strace $0x80000048  }
0xba: {  	_ =	swait.ge [sflag:s29], $0x1  }
0xbb: {  	[sflag:s29] =	ssyncadd.s32 $0xFFFFFFFF  }
0xbc: {  	_ =	strace $0x90000048  }
0xbd: {  	_ =	sfence  }
0xbe: {  	s30 =	sld [smem:$0x0];
	_ =	sdelay $0x2  }
0xbf: {  	s31 =	sshll.u32 s1, $0xD;
	s1 =	sshrl.u32 s1, $0x2  }
0xc0: {  	s3 =	sand.u32 $0x4000, s31;
	s1 =	sadd.s32 s1, s30  }
0xc1: {  	s0 =	sor.u32 s3, s0;
	s1 =	sshll.u32 s1, $0x11  }
0xc2: {  	s0 =	sor.u32 s1, s0  }
0xc3: {  	s0 =	sadd.s32 $0x8F2B, s0  }
0xc4: {  	[sflag:s0] =	ssyncadd.remote.s32 $0x1  }
0xc5: {  	_ =	sfence.sel $0xFFFF  }
0xc6: {  	[dreg:$0x0] =	wrdreg $0xFFFFFFFF;
	(pc) =	sbr.abs _section_cstart, $3  }
0xc7: {  	[dreg:$0x1] =	wrdreg $0xFFFFFFFF  }
0xc8: {  	_ =	task.clear_ibuf [dreg:s11], $0x2FFFF;
	_ =	strace $0x9FFFFFFF  }
0xc9: {  	(tm) =	ssettm $0x7FFFFFFF  }
tec
execute0_lowered:
.L_overlay_start_1:
0x0: {  	(tag) =	ssettag $0x1  }
0x1: {  	s5 =	rddreg [dreg:$0x0]  }
0x2: {  	s6 =	rddreg [dreg:$0x1]  }
0x3: {  	s1 =	rddreg [dreg:$0x2]  }
0x4: {  	s2 =	rddreg [dreg:$0x3]  }
0x5: {  	s7 =	rddreg [dreg:$0x4]  }
0x6: {  	s0 =	rddreg [dreg:$0x5]  }
0x7: {  	s4 =	simm.s32 $0x0;
	s8 =	srdreg.scid;
	s3 =	stileid.u32  }
0x8: {  	s13 =	simm.s32 $0x1;
	s14 =	simm.s32 $0x2;
	s15 =	simm.s32 $0x100  }
0x9: {  	v16 =	vlaneseq.u32;
	s16 =	simm.s32 $0x8300;
	s17 =	simm.s32 $0x180;
	s18 =	simm.s32 $0xC300  }
0xa: {  	s19 =	simm.s32 $0x1AB00;
	s20 =	simm.s32 $0x0;
	s8 =	sand.u32 $0x1, s8;
	v0 =	vmul.u32 $0x10, v16  }
0xb: {  	[smem:$0x7FF] =	sst s4;
	s9 =	sshll.u32 s3, $0x1;
	v16 =	vmul.u32 $0x8, v16;
	s10 =	ssub.s32 $0x2, s8  }
0xc: {  	_ =	strace $0x80000047;
	s8 =	sor.u32 s8, s9;
	s31 =	sshrl.u32 s10, $0x1;
	v1 =	vor.u32 $0x1, v0;
	v2 =	vor.u32 $0x2, v0;
	v3 =	vor.u32 $0x3, v0  }
0xd: {  	s11 =	sshll.u32 s8, $0x4;
	s12 =	smul.u32 $0x50, s8;
	s8 =	sshll.u32 s8, $0x7;
	v4 =	vor.u32 $0x4, v0;
	v5 =	vor.u32 $0x5, v0;
	v6 =	vor.u32 $0x6, v0  }
0xe: {  	v7 =	vor.u32 $0x7, v0;
	v8 =	vor.u32 $0x8, v0;
	v9 =	vor.u32 $0x9, v0;
	s9 =	ssub.s32 s10, s31;
	s5 =	sadd.s32 s5, s11;
	s7 =	sadd.s32 s7, s8  }
0xf: {  	v10 =	vor.u32 $0xA, v0;
	v11 =	vor.u32 $0xB, v0;
	v12 =	vor.u32 $0xC, v0;
	s10 =	simm.s32 $0x80;
	s11 =	simm.s32 $0x300;
	s6 =	sadd.s32 s6, s12  }
0x10: {  	v13 =	vor.u32 $0xD, v0;
	v14 =	vor.u32 $0xE, v0;
	v15 =	vor.u32 $0xF, v0;
	s8 =	smax.u32 s9, $0x1;
	s9 =	simm.s32 $0x7;
	s12 =	simm.s32 $0x4300  }
.LBB2_1:
0x11: {  	[tilespmem:s4], [sflag:$0x7] =	stream.linear.gather [hbm4b:s5+s4], $0x80, $0x38;
	[tilespmem:$0x1AF00] =	vst v63  }
0x12: {  	_ =	swait.ge [sflag:s9], $0x80  }
0x13: {  	[sflag:s9] =	ssyncset.done $0x0  }
0x14: {  	[sflag:s9] =	ssyncadd.s32 $0xFFFFFF80  }
0x15: {  	[tilespmem:s10], [sflag:$0x7] =	stream.linear.gather [hbm4b:s6+s4], $0x280, $0x38;
	[tilespmem:$0x1AF00] =	vst v63  }
0x16: {  	_ =	swait.ge [sflag:s9], $0x280  }
0x17: {  	[sflag:s9] =	ssyncset.done $0x0  }
0x18: {  	[sflag:s9] =	ssyncadd.s32 $0xFFFFFD80  }
0x19: {  	[tilespmem:s11], [sflag:$0x1] =	stream.indirect.gather [hbm4b:s1+s10], $0x80, s4, s10, $0xb8;
	[tilespmem:$0x1AF00] =	vst v63  }
0x1a: {  	_ = 	snop  }
0x1b: {  	[tilespmem:s12], [sflag:$0x2] =	stream.indirect.gather [hbm4b:s2+s10], $0x80, s10, s10, $0xb8;
	[tilespmem:$0x1AF00] =	vst v63  }
0x1c: {  	_ =	swait.ge [sflag:s13], $0x4000  }
0x1d: {  	[sflag:s13] =	ssyncset.done $0x0  }
0x1e: {  	[sflag:s13] =	ssyncadd.s32 $0xFFFFC000  }
0x1f: {  	_ =	swait.ge [sflag:s14], $0x4000  }
0x20: {  	[sflag:s14] =	ssyncset.done $0x0  }
0x21: {  	s21 =	simm.s32 $0x380;
	[sflag:s14] =	ssyncadd.s32 $0xFFFFC000  }
0x22: {  	[tilespmem:s16], [sflag:$0x3] =	stream.indirect.gather [hbm4b:s2+s10], $0x80, s15, s10, $0xb8;
	[tilespmem:$0x1AF00] =	vst v63  }
0x23: {  	s22 =	simm.s32 $0x4580;
	s23 =	simm.s32 $0x0;
	s24 =	simm.s32 $0x0  }
0x24: {  	[tilespmem:s18], [sflag:$0x4] =	stream.indirect.gather [hbm4b:s2+s10], $0x80, s17, s10, $0xb8;
	[tilespmem:$0x1AF00] =	vst v63  }
.LBB2_2:
0x25: {  	p0 =	sgt.s32 s24, $0x25  }
0x26: {  	p1 =	seq.s32 @p0 s24, $0x26  }
0x27: {  	p2 =	por !p1, !p0;
	p3 =	por p1, !p0  }
0x28: {  	s25 =	simm.s32 @!p2 $0x5;
	p3 =	seq.s32 @!p3 s24, $0x33  }
0x29: {  	_ =	swait.ge @!p2 [sflag:s25], $0x4000;
	p1 =	por @p0 !p3, p1  }
0x2a: {  	[sflag:s25] =	ssyncset.done @!p2 $0x0;
	p1 =	por p1, !p0  }
0x2b: {  	[sflag:s25] =	ssyncadd.s32 @!p2 $0xFFFFC000;
	s25 =	simm.s32 @!p1 $0x6  }
0x2c: {  	p2 =	seq.s32 @!p0 s24, $0xC;
	_ =	swait.ge @!p1 [sflag:s25], $0x4000  }
0x2d: {  	p3 =	por !p2, p0;
	[sflag:s25] =	ssyncset.done @!p1 $0x0  }
0x2e: {  	[sflag:s25] =	ssyncadd.s32 @!p1 $0xFFFFC000;
	s25 =	simm.s32 @!p3 $0x3;
	p1 =	por p2, p0  }
0x2f: {  	s26 =	simm.s32 @!p3 $0x200;
	_ =	swait.ge @!p3 [sflag:s25], $0x4000;
	p1 =	seq.s32 @!p1 s24, $0x19  }
0x30: {  	s28 =	simm.s32 @!p3 $0x10300;
	[sflag:s25] =	ssyncset.done @!p3 $0x0;
	p1 =	por @!p0 !p1, p2  }
0x31: {  	[sflag:s25] =	ssyncadd.s32 @!p3 $0xFFFFC000;
	s25 =	simm.s32 @!p3 $0x80;
	p0 =	por p1, p0  }
0x32: {  	[tilespmem:s28], [sflag:$0x5] =	stream.indirect.gather @!p3 [hbm4b:s2+s25], $0x80, s26, s25, $0xb8;
	[tilespmem:$0x1AF00] =	vst v63  }
0x33: {  	s25 =	simm.s32 @!p0 $0x4  }
0x34: {  	_ =	swait.ge @!p0 [sflag:s25], $0x4000  }
0x35: {  	s26 =	simm.s32 @!p0 $0x280;
	[sflag:s25] =	ssyncset.done @!p0 $0x0  }
0x36: {  	s28 =	simm.s32 @!p0 $0x14300;
	[sflag:s25] =	ssyncadd.s32 @!p0 $0xFFFFC000;
	s25 =	simm.s32 @!p0 $0x80  }
0x37: {  	[tilespmem:s28], [sflag:$0x6] =	stream.indirect.gather @!p0 [hbm4b:s2+s25], $0x80, s26, s25, $0xb8;
	[tilespmem:$0x1AF00] =	vst v63  }
0x38: {  	v17 =	vld [tilespmem:s21+$0xFFFFFF80]  }
0x39: {  	v18 =	vld [tilespmem:s21+$0xFFFFFF90]  }
0x3a: {  	v19 =	vld [tilespmem:s21+$0xFFFFFFA0]  }
0x3b: {  	v20 =	vld [tilespmem:s21+$0xFFFFFFB0]  }
0x3c: {  	v21 =	vld [tilespmem:s21+$0xFFFFFFC0]  }
0x3d: {  	v22 =	vld [tilespmem:s21+$0xFFFFFFD0]  }
0x3e: {  	v23 =	vld [tilespmem:s21+$0xFFFFFFE0]  }
0x3f: {  	v24 =	vld [tilespmem:s21+$0xFFFFFFF0]  }
0x40: {  	v25 =	vld [tilespmem:s22+$0xFFFFFD80]  }
0x41: {  	v26 =	vld [tilespmem:s22+$0xFFFFFD90]  }
0x42: {  	v27 =	vld [tilespmem:s22+$0xFFFFFDA0]  }
0x43: {  	v28 =	vld [tilespmem:s22+$0xFFFFFDB0]  }
0x44: {  	v29 =	vld [tilespmem:s22+$0xFFFFFDC0]  }
0x45: {  	v30 =	vld [tilespmem:s22+$0xFFFFFDD0]  }
0x46: {  	v31 =	vld [tilespmem:s22+$0xFFFFFDE0]  }
0x47: {  	v32 =	vld [tilespmem:s22+$0xFFFFFDF0];
	_ =	sdelay $0x1  }
0x48: {  	v25 =	vmul.f32 v25, v17;
	v26 =	vmul.f32 v26, v18  }
0x49: {  	v27 =	vmul.f32 v27, v19;
	v28 =	vmul.f32 v28, v20  }
0x4a: {  	v29 =	vmul.f32 v29, v21;
	v30 =	vmul.f32 v30, v22  }
0x4b: {  	v31 =	vmul.f32 v31, v23;
	v32 =	vmul.f32 v32, v24  }
0x4c: {  	v25 =	vadd.f32 v26, v25;
	v53 =	vadd.f32 v28, v27  }
0x4d: {  	v54 =	vadd.f32 v30, v29;
	v55 =	vadd.f32 v32, v31;
	_ =	sdelay $0x1  }
0x4e: {  	v25 =	vadd.f32 v53, v25;
	v56 =	vadd.f32 v55, v54;
	_ =	sdelay $0x1  }
0x4f: {  	v25 =	vadd.f32 v56, v25  }
0x50: {  	s31 =	sshra.s32 s23, $0x2  }
0x51: {  	[tilespmem:s31+$0x18300] =	vst v25  }
0x52: {  	v25 =	vld [tilespmem:s22+$0xFFFFFE00]  }
0x53: {  	v57 =	vld [tilespmem:s22+$0xFFFFFE10]  }
0x54: {  	v58 =	vld [tilespmem:s22+$0xFFFFFE20]  }
0x55: {  	v59 =	vld [tilespmem:s22+$0xFFFFFE30]  }
0x56: {  	v60 =	vld [tilespmem:s22+$0xFFFFFE40]  }
0x57: {  	v61 =	vld [tilespmem:s22+$0xFFFFFE50]  }
0x58: {  	v62 =	vld [tilespmem:s22+$0xFFFFFE60]  }
0x59: {  	v63 =	vld [tilespmem:s22+$0xFFFFFE70];
	_ =	sdelay $0x1  }
0x5a: {  	v25 =	vmul.f32 v25, v17;
	v26 =	vmul.f32 v57, v18  }
0x5b: {  	v27 =	vmul.f32 v58, v19;
	v28 =	vmul.f32 v59, v20  }
0x5c: {  	v29 =	vmul.f32 v60, v21;
	v30 =	vmul.f32 v61, v22  }
0x5d: {  	v31 =	vmul.f32 v62, v23;
	v32 =	vmul.f32 v63, v24  }
0x5e: {  	v25 =	vadd.f32 v26, v25;
	v33 =	vadd.f32 v28, v27  }
0x5f: {  	v34 =	vadd.f32 v30, v29;
	v35 =	vadd.f32 v32, v31;
	_ =	sdelay $0x1  }
0x60: {  	v25 =	vadd.f32 v33, v25;
	v36 =	vadd.f32 v35, v34;
	_ =	sdelay $0x1  }
0x61: {  	v25 =	vadd.f32 v36, v25;
	_ =	sdelay $0x1  }
0x62: {  	[tilespmem:s31+$0x18B00] =	vst v25  }
0x63: {  	v25 =	vld [tilespmem:s22+$0xFFFFFE80]  }
0x64: {  	v37 =	vld [tilespmem:s22+$0xFFFFFE90]  }
0x65: {  	v38 =	vld [tilespmem:s22+$0xFFFFFEA0]  }
0x66: {  	v39 =	vld [tilespmem:s22+$0xFFFFFEB0]  }
0x67: {  	v40 =	vld [tilespmem:s22+$0xFFFFFEC0]  }
0x68: {  	v41 =	vld [tilespmem:s22+$0xFFFFFED0]  }
0x69: {  	v42 =	vld [tilespmem:s22+$0xFFFFFEE0]  }
0x6a: {  	v43 =	vld [tilespmem:s22+$0xFFFFFEF0];
	_ =	sdelay $0x1  }
0x6b: {  	v25 =	vmul.f32 v25, v17;
	v26 =	vmul.f32 v37, v18  }
0x6c: {  	v27 =	vmul.f32 v38, v19;
	v28 =	vmul.f32 v39, v20  }
0x6d: {  	v29 =	vmul.f32 v40, v21;
	v30 =	vmul.f32 v41, v22  }
0x6e: {  	v31 =	vmul.f32 v42, v23;
	v32 =	vmul.f32 v43, v24  }
0x6f: {  	v25 =	vadd.f32 v26, v25;
	v44 =	vadd.f32 v28, v27  }
0x70: {  	v45 =	vadd.f32 v30, v29;
	v46 =	vadd.f32 v32, v31;
	_ =	sdelay $0x1  }
0x71: {  	v25 =	vadd.f32 v44, v25;
	v47 =	vadd.f32 v46, v45;
	_ =	sdelay $0x1  }
0x72: {  	v25 =	vadd.f32 v47, v25;
	_ =	sdelay $0x1  }
0x73: {  	[tilespmem:s31+$0x19300] =	vst v25  }
0x74: {  	v25 =	vld [tilespmem:s22+$0xFFFFFF00]  }
0x75: {  	v48 =	vld [tilespmem:s22+$0xFFFFFF10]  }
0x76: {  	v49 =	vld [tilespmem:s22+$0xFFFFFF20]  }
0x77: {  	v50 =	vld [tilespmem:s22+$0xFFFFFF30]  }
0x78: {  	v51 =	vld [tilespmem:s22+$0xFFFFFF40]  }
0x79: {  	v52 =	vld [tilespmem:s22+$0xFFFFFF50]  }
0x7a: {  	v53 =	vld [tilespmem:s22+$0xFFFFFF60]  }
0x7b: {  	v54 =	vld [tilespmem:s22+$0xFFFFFF70];
	_ =	sdelay $0x1  }
0x7c: {  	v25 =	vmul.f32 v25, v17;
	v26 =	vmul.f32 v48, v18  }
0x7d: {  	v27 =	vmul.f32 v49, v19;
	v28 =	vmul.f32 v50, v20  }
0x7e: {  	v29 =	vmul.f32 v51, v21;
	v30 =	vmul.f32 v52, v22  }
0x7f: {  	v31 =	vmul.f32 v53, v23;
	v32 =	vmul.f32 v54, v24  }
0x80: {  	v25 =	vadd.f32 v26, v25;
	v55 =	vadd.f32 v28, v27  }
0x81: {  	v56 =	vadd.f32 v30, v29;
	v57 =	vadd.f32 v32, v31;
	_ =	sdelay $0x1  }
0x82: {  	v25 =	vadd.f32 v55, v25;
	v58 =	vadd.f32 v57, v56;
	_ =	sdelay $0x1  }
0x83: {  	v25 =	vadd.f32 v58, v25;
	_ =	sdelay $0x1  }
0x84: {  	[tilespmem:s31+$0x19B00] =	vst v25  }
0x85: {  	v25 =	vld [tilespmem:s22+$0xFFFFFF80]  }
0x86: {  	v59 =	vld [tilespmem:s22+$0xFFFFFF90]  }
0x87: {  	v60 =	vld [tilespmem:s22+$0xFFFFFFA0]  }
0x88: {  	v61 =	vld [tilespmem:s22+$0xFFFFFFB0]  }
0x89: {  	v62 =	vld [tilespmem:s22+$0xFFFFFFC0]  }
0x8a: {  	v63 =	vld [tilespmem:s22+$0xFFFFFFD0]  }
0x8b: {  	v36 =	vld [tilespmem:s22+$0xFFFFFFE0]  }
0x8c: {  	v37 =	vld [tilespmem:s22+$0xFFFFFFF0];
	_ =	sdelay $0x1  }
0x8d: {  	v17 =	vmul.f32 v25, v17;
	v18 =	vmul.f32 v59, v18  }
0x8e: {  	v19 =	vmul.f32 v60, v19;
	v20 =	vmul.f32 v61, v20  }
0x8f: {  	v21 =	vmul.f32 v62, v21;
	v22 =	vmul.f32 v63, v22  }
0x90: {  	v23 =	vmul.f32 v36, v23;
	v24 =	vmul.f32 v37, v24  }
0x91: {  	v17 =	vadd.f32 v18, v17;
	v18 =	vadd.f32 v20, v19  }
0x92: {  	v19 =	vadd.f32 v22, v21;
	v38 =	vadd.f32 v24, v23;
	_ =	sdelay $0x1  }
0x93: {  	v17 =	vadd.f32 v18, v17;
	v18 =	vadd.f32 v38, v19;
	_ =	sdelay $0x1  }
0x94: {  	v17 =	vadd.f32 v18, v17;
	_ =	sdelay $0x1  }
0x95: {  	[tilespmem:s31+$0x1A300] =	vst v17  }
0x96: {  	v17 =	vld [tilespmem:s21+$0x0]  }
0x97: {  	v18 =	vld [tilespmem:s21+$0x10]  }
0x98: {  	v19 =	vld [tilespmem:s21+$0x20]  }
0x99: {  	v20 =	vld [tilespmem:s21+$0x30]  }
0x9a: {  	v21 =	vld [tilespmem:s21+$0x40]  }
0x9b: {  	v22 =	vld [tilespmem:s21+$0x50]  }
0x9c: {  	v23 =	vld [tilespmem:s21+$0x60]  }
0x9d: {  	v24 =	vld [tilespmem:s21+$0x70]  }
0x9e: {  	v39 =	vld [tilespmem:s22+$0x0]  }
0x9f: {  	v40 =	vld [tilespmem:s22+$0x10]  }
0xa0: {  	v41 =	vld [tilespmem:s22+$0x20]  }
0xa1: {  	v42 =	vld [tilespmem:s22+$0x30]  }
0xa2: {  	v43 =	vld [tilespmem:s22+$0x40]  }
0xa3: {  	v44 =	vld [tilespmem:s22+$0x50]  }
0xa4: {  	v45 =	vld [tilespmem:s22+$0x60]  }
0xa5: {  	v46 =	vld [tilespmem:s22+$0x70];
	_ =	sdelay $0x1  }
0xa6: {  	v25 =	vmul.f32 v39, v17;
	v26 =	vmul.f32 v40, v18  }
0xa7: {  	v27 =	vmul.f32 v41, v19;
	v28 =	vmul.f32 v42, v20  }
0xa8: {  	v29 =	vmul.f32 v43, v21;
	v30 =	vmul.f32 v44, v22  }
0xa9: {  	v31 =	vmul.f32 v45, v23;
	v32 =	vmul.f32 v46, v24  }
0xaa: {  	v25 =	vadd.f32 v26, v25;
	v47 =	vadd.f32 v28, v27  }
0xab: {  	v48 =	vadd.f32 v30, v29;
	v49 =	vadd.f32 v32, v31;
	_ =	sdelay $0x1  }
0xac: {  	v25 =	vadd.f32 v47, v25;
	v50 =	vadd.f32 v49, v48;
	_ =	sdelay $0x1  }
0xad: {  	v25 =	vadd.f32 v50, v25;
	_ =	sdelay $0x1  }
0xae: {  	[tilespmem:s31+$0x18310] =	vst v25  }
0xaf: {  	v25 =	vld [tilespmem:s22+$0x80]  }
0xb0: {  	v51 =	vld [tilespmem:s22+$0x90]  }
0xb1: {  	v52 =	vld [tilespmem:s22+$0xA0]  }
0xb2: {  	v53 =	vld [tilespmem:s22+$0xB0]  }
0xb3: {  	v54 =	vld [tilespmem:s22+$0xC0]  }
0xb4: {  	v55 =	vld [tilespmem:s22+$0xD0]  }
0xb5: {  	v56 =	vld [tilespmem:s22+$0xE0]  }
0xb6: {  	v57 =	vld [tilespmem:s22+$0xF0];
	_ =	sdelay $0x1  }
0xb7: {  	v25 =	vmul.f32 v25, v17;
	v26 =	vmul.f32 v51, v18  }
0xb8: {  	v27 =	vmul.f32 v52, v19;
	v28 =	vmul.f32 v53, v20  }
0xb9: {  	v29 =	vmul.f32 v54, v21;
	v30 =	vmul.f32 v55, v22  }
0xba: {  	v31 =	vmul.f32 v56, v23;
	v32 =	vmul.f32 v57, v24  }
0xbb: {  	v25 =	vadd.f32 v26, v25;
	v58 =	vadd.f32 v28, v27  }
0xbc: {  	v59 =	vadd.f32 v30, v29;
	v60 =	vadd.f32 v32, v31;
	_ =	sdelay $0x1  }
0xbd: {  	v25 =	vadd.f32 v58, v25;
	v61 =	vadd.f32 v60, v59;
	_ =	sdelay $0x1  }
0xbe: {  	v25 =	vadd.f32 v61, v25;
	_ =	sdelay $0x1  }
0xbf: {  	[tilespmem:s31+$0x18B10] =	vst v25  }
0xc0: {  	v25 =	vld [tilespmem:s22+$0x100]  }
0xc1: {  	v62 =	vld [tilespmem:s22+$0x110]  }
0xc2: {  	v63 =	vld [tilespmem:s22+$0x120]  }
0xc3: {  	v36 =	vld [tilespmem:s22+$0x130]  }
0xc4: {  	v37 =	vld [tilespmem:s22+$0x140]  }
0xc5: {  	v38 =	vld [tilespmem:s22+$0x150]  }
0xc6: {  	v39 =	vld [tilespmem:s22+$0x160]  }
0xc7: {  	v40 =	vld [tilespmem:s22+$0x170];
	_ =	sdelay $0x1  }
0xc8: {  	v25 =	vmul.f32 v25, v17;
	v26 =	vmul.f32 v62, v18  }
0xc9: {  	v27 =	vmul.f32 v63, v19;
	v28 =	vmul.f32 v36, v20  }
0xca: {  	v29 =	vmul.f32 v37, v21;
	v30 =	vmul.f32 v38, v22  }
0xcb: {  	v31 =	vmul.f32 v39, v23;
	v32 =	vmul.f32 v40, v24  }
0xcc: {  	v25 =	vadd.f32 v26, v25;
	v41 =	vadd.f32 v28, v27  }
0xcd: {  	v42 =	vadd.f32 v30, v29;
	v43 =	vadd.f32 v32, v31;
	_ =	sdelay $0x1  }
0xce: {  	v25 =	vadd.f32 v41, v25;
	v44 =	vadd.f32 v43, v42;
	_ =	sdelay $0x1  }
0xcf: {  	v25 =	vadd.f32 v44, v25;
	_ =	sdelay $0x1  }
0xd0: {  	[tilespmem:s31+$0x19310] =	vst v25  }
0xd1: {  	v25 =	vld [tilespmem:s22+$0x180]  }
0xd2: {  	v45 =	vld [tilespmem:s22+$0x190]  }
0xd3: {  	v46 =	vld [tilespmem:s22+$0x1A0]  }
0xd4: {  	v47 =	vld [tilespmem:s22+$0x1B0]  }
0xd5: {  	v48 =	vld [tilespmem:s22+$0x1C0]  }
0xd6: {  	v49 =	vld [tilespmem:s22+$0x1D0]  }
0xd7: {  	v50 =	vld [tilespmem:s22+$0x1E0]  }
0xd8: {  	v51 =	vld [tilespmem:s22+$0x1F0];
	_ =	sdelay $0x1  }
0xd9: {  	v25 =	vmul.f32 v25, v17;
	v26 =	vmul.f32 v45, v18  }
0xda: {  	v27 =	vmul.f32 v46, v19;
	v28 =	vmul.f32 v47, v20  }
0xdb: {  	v29 =	vmul.f32 v48, v21;
	v30 =	vmul.f32 v49, v22  }
0xdc: {  	v31 =	vmul.f32 v50, v23;
	v32 =	vmul.f32 v51, v24  }
0xdd: {  	v25 =	vadd.f32 v26, v25;
	v52 =	vadd.f32 v28, v27  }
0xde: {  	v53 =	vadd.f32 v30, v29;
	v54 =	vadd.f32 v32, v31;
	_ =	sdelay $0x1  }
0xdf: {  	v25 =	vadd.f32 v52, v25;
	v55 =	vadd.f32 v54, v53;
	_ =	sdelay $0x1  }
0xe0: {  	v25 =	vadd.f32 v55, v25;
	_ =	sdelay $0x1  }
0xe1: {  	[tilespmem:s31+$0x19B10] =	vst v25  }
0xe2: {  	v25 =	vld [tilespmem:s22+$0x200]  }
0xe3: {  	v56 =	vld [tilespmem:s22+$0x210]  }
0xe4: {  	v57 =	vld [tilespmem:s22+$0x220]  }
0xe5: {  	v58 =	vld [tilespmem:s22+$0x230]  }
0xe6: {  	v59 =	vld [tilespmem:s22+$0x240]  }
0xe7: {  	v60 =	vld [tilespmem:s22+$0x250]  }
0xe8: {  	v61 =	vld [tilespmem:s22+$0x260]  }
0xe9: {  	v62 =	vld [tilespmem:s22+$0x270];
	_ =	sdelay $0x1  }
0xea: {  	v17 =	vmul.f32 v25, v17;
	v18 =	vmul.f32 v56, v18  }
0xeb: {  	v19 =	vmul.f32 v57, v19;
	v20 =	vmul.f32 v58, v20  }
0xec: {  	v21 =	vmul.f32 v59, v21;
	v22 =	vmul.f32 v60, v22  }
0xed: {  	v23 =	vmul.f32 v61, v23;
	v24 =	vmul.f32 v62, v24  }
0xee: {  	v17 =	vadd.f32 v18, v17;
	v18 =	vadd.f32 v20, v19  }
0xef: {  	s23 =	sadd.s32 $0x80, s23;
	v19 =	vadd.f32 v22, v21;
	v63 =	vadd.f32 v24, v23  }
0xf0: {  	p0 =	sne.s32 s23, $0x2000  }
.Ltmp0:
0xf1: {  	v17 =	vadd.f32 v18, v17;
	v18 =	vadd.f32 v63, v19;
	(pc) =	sbr.rel @p0 .LBB2_2-.Ltmp0, $3  }
0xf2: {  	_ = 	snop  }
0xf3: {  	v17 =	vadd.f32 v18, v17;
	_ =	sdelay $0x1  }
0xf4: {  	s24 =	sadd.s32 $0x1, s24;
	s21 =	sadd.s32 $0x100, s21;
	s22 =	sadd.s32 $0x500, s22;
	[tilespmem:s31+$0x1A310] =	vst v17  }
0xf5: {  	_ =	sdelay $0x2  }
0xf6: {  	s21 =	simm.s32 $0x18300  }
0xf7: {  	v17 =	vld.idx.msk [tilespmem:v1+s21+$0x0], $0xffff  }
0xf8: {  	v18 =	vld.idx.msk [tilespmem:v0+s21+$0x0], $0xffff  }
0xf9: {  	v19 =	vld.idx.msk [tilespmem:v2+s21+$0x0], $0xffff  }
0xfa: {  	v20 =	vld.idx.msk [tilespmem:v3+s21+$0x0], $0xffff  }
0xfb: {  	v21 =	vld.idx.msk [tilespmem:v4+s21+$0x0], $0xffff  }
0xfc: {  	v22 =	vld.idx.msk [tilespmem:v5+s21+$0x0], $0xffff  }
0xfd: {  	v23 =	vld.idx.msk [tilespmem:v6+s21+$0x0], $0xffff  }
0xfe: {  	v24 =	vld.idx.msk [tilespmem:v7+s21+$0x0], $0xffff  }
0xff: {  	v25 =	vld.idx.msk [tilespmem:v8+s21+$0x0], $0xffff  }
0x100: {  	v26 =	vld.idx.msk [tilespmem:v9+s21+$0x0], $0xffff  }
0x101: {  	v27 =	vld.idx.msk [tilespmem:v10+s21+$0x0], $0xffff  }
0x102: {  	v28 =	vld.idx.msk [tilespmem:v11+s21+$0x0], $0xffff  }
0x103: {  	v29 =	vld.idx.msk [tilespmem:v12+s21+$0x0], $0xffff  }
0x104: {  	v30 =	vld.idx.msk [tilespmem:v13+s21+$0x0], $0xffff  }
0x105: {  	v31 =	vld.idx.msk [tilespmem:v14+s21+$0x0], $0xffff  }
0x106: {  	v32 =	vld.idx.msk [tilespmem:v15+s21+$0x0], $0xffff  }
0x107: {  	v17 =	vadd.f32 v17, v18  }
0x108: {  	s22 =	simm.s32 $0x0;
	s21 =	simm.s32 $0x0;
	v18 =	vadd.f32 v20, v19;
	v20 =	vadd.f32 v22, v21  }
0x109: {  	s23 =	sand.u32 $0x70, s21;
	v19 =	vmov s22;
	v21 =	vadd.f32 v24, v23;
	v23 =	vadd.f32 v26, v25  }
0x10a: {  	v22 =	vmov s23;
	v24 =	vadd.f32 v28, v27;
	v25 =	vadd.f32 v30, v29  }
0x10b: {  	v26 =	vadd.f32 v32, v31;
	v19 =	vand.u32 $0x7, v19;
	v22 =	vshll.u32 v22, $0x3  }
0x10c: {  	v17 =	vadd.f32 v18, v17;
	v18 =	vadd.f32 v21, v20;
	v19 =	vbroadcast v19, $0x0  }
0x10d: {  	v20 =	vadd.f32 v24, v23;
	v21 =	vadd.f32 v26, v25;
	v22 =	vor.u32 v16, v22  }
0x10e: {  	v19 =	vor.u32 v19, v22  }
0x10f: {  	v17 =	vadd.f32 v18, v17;
	v18 =	vadd.f32 v21, v20;
	_ =	sdelay $0x1  }
0x110: {  	v17 =	vadd.f32 v18, v17;
	_ =	sdelay $0x1  }
0x111: {  	s22 =	simm.s32 $0x18400;
	[tilespmem:v19+s19+$0x0] =	vst.idx.msk $0xffff, v17  }
0x112: {  	v17 =	vld.idx.msk [tilespmem:v1+s22+$0x0], $0xffff  }
0x113: {  	v18 =	vld.idx.msk [tilespmem:v0+s22+$0x0], $0xffff  }
0x114: {  	v20 =	vld.idx.msk [tilespmem:v2+s22+$0x0], $0xffff  }
0x115: {  	v22 =	vld.idx.msk [tilespmem:v3+s22+$0x0], $0xffff  }
0x116: {  	v19 =	vld.idx.msk [tilespmem:v4+s22+$0x0], $0xffff  }
0x117: {  	v21 =	vld.idx.msk [tilespmem:v5+s22+$0x0], $0xffff  }
0x118: {  	v23 =	vld.idx.msk [tilespmem:v6+s22+$0x0], $0xffff  }
0x119: {  	v25 =	vld.idx.msk [tilespmem:v7+s22+$0x0], $0xffff  }
0x11a: {  	v24 =	vld.idx.msk [tilespmem:v8+s22+$0x0], $0xffff  }
0x11b: {  	v26 =	vld.idx.msk [tilespmem:v9+s22+$0x0], $0xffff  }
0x11c: {  	v27 =	vld.idx.msk [tilespmem:v10+s22+$0x0], $0xffff  }
0x11d: {  	v29 =	vld.idx.msk [tilespmem:v11+s22+$0x0], $0xffff  }
0x11e: {  	v28 =	vld.idx.msk [tilespmem:v12+s22+$0x0], $0xffff  }
0x11f: {  	v30 =	vld.idx.msk [tilespmem:v13+s22+$0x0], $0xffff  }
0x120: {  	v31 =	vld.idx.msk [tilespmem:v14+s22+$0x0], $0xffff  }
0x121: {  	s24 =	simm.s32 $0x2;
	s23 =	simm.s32 $0x1;
	v32 =	vld.idx.msk [tilespmem:v15+s22+$0x0], $0xffff  }
.LBB2_4:
0x122: {  	p0 =	sne.s32 s24, $0x27  }
0x123: {  	s25 =	sshrl.u32 s23, $0x3;
	s21 =	sadd.s32 $0x10, s21;
	s23 =	smov.u32 s24  }
0x124: {  	v17 =	vadd.f32 v17, v18;
	v18 =	vadd.f32 v22, v20;
	s26 =	sand.u32 $0x70, s21;
	v20 =	vmov s25  }
0x125: {  	v19 =	vadd.f32 v21, v19;
	v21 =	vadd.f32 v25, v23;
	v22 =	vmov s26  }
0x126: {  	v23 =	vadd.f32 v26, v24;
	v24 =	vadd.f32 v29, v27;
	v20 =	vand.u32 $0x7, v20  }
0x127: {  	v25 =	vadd.f32 v30, v28;
	v22 =	vshll.u32 v22, $0x3;
	v26 =	vadd.f32 v32, v31  }
0x128: {  	v17 =	vadd.f32 v18, v17;
	v18 =	vadd.f32 v21, v19;
	v19 =	vbroadcast v20, $0x0  }
0x129: {  	v20 =	vadd.f32 v24, v23;
	v22 =	vor.u32 v16, v22;
	v21 =	vadd.f32 v26, v25  }
0x12a: {  	v19 =	vor.u32 v19, v22  }
0x12b: {  	v17 =	vadd.f32 v18, v17;
	v18 =	vadd.f32 v21, v20;
	_ =	sdelay $0x1  }
0x12c: {  	v17 =	vadd.f32 v18, v17;
	_ =	sdelay $0x1  }
0x12d: {  	s22 =	sadd.s32 $0x100, s22;
	[tilespmem:v19+s19+$0x0] =	vst.idx.msk $0xffff, v17  }
0x12e: {  	v17 =	vld.idx.msk [tilespmem:v1+s22+$0x0], $0xffff  }
0x12f: {  	v18 =	vld.idx.msk [tilespmem:v0+s22+$0x0], $0xffff  }
0x130: {  	v20 =	vld.idx.msk [tilespmem:v2+s22+$0x0], $0xffff  }
0x131: {  	v22 =	vld.idx.msk [tilespmem:v3+s22+$0x0], $0xffff  }
0x132: {  	v19 =	vld.idx.msk [tilespmem:v4+s22+$0x0], $0xffff  }
0x133: {  	v21 =	vld.idx.msk [tilespmem:v5+s22+$0x0], $0xffff  }
0x134: {  	v23 =	vld.idx.msk [tilespmem:v6+s22+$0x0], $0xffff  }
0x135: {  	v25 =	vld.idx.msk [tilespmem:v7+s22+$0x0], $0xffff  }
0x136: {  	v24 =	vld.idx.msk [tilespmem:v8+s22+$0x0], $0xffff  }
0x137: {  	v26 =	vld.idx.msk [tilespmem:v9+s22+$0x0], $0xffff  }
0x138: {  	v27 =	vld.idx.msk [tilespmem:v10+s22+$0x0], $0xffff  }
.Ltmp1:
0x139: {  	v29 =	vld.idx.msk [tilespmem:v11+s22+$0x0], $0xffff;
	(pc) =	sbr.rel @p0 .LBB2_4-.Ltmp1, $4  }
0x13a: {  	v28 =	vld.idx.msk [tilespmem:v12+s22+$0x0], $0xffff  }
0x13b: {  	v30 =	vld.idx.msk [tilespmem:v13+s22+$0x0], $0xffff  }
0x13c: {  	v31 =	vld.idx.msk [tilespmem:v14+s22+$0x0], $0xffff  }
0x13d: {  	s24 =	sadd.s32 $0x1, s24;
	v32 =	vld.idx.msk [tilespmem:v15+s22+$0x0], $0xffff  }
0x13e: {  	v17 =	vadd.f32 v17, v18;
	v18 =	vadd.f32 v22, v20  }
0x13f: {  	s21 =	sadd.s32 $0x10, s21;
	v19 =	vadd.f32 v21, v19;
	v56 =	vadd.f32 v25, v23  }
0x140: {  	s22 =	sshrl.u32 s23, $0x3;
	v58 =	vadd.f32 v26, v24;
	v59 =	vadd.f32 v29, v27;
	s21 =	sand.u32 $0x70, s21  }
0x141: {  	v55 =	vmov s22;
	v57 =	vmov s21;
	v60 =	vadd.f32 v30, v28  }
0x142: {  	v20 =	vand.u32 $0x7, v55;
	v17 =	vadd.f32 v18, v17;
	v61 =	vadd.f32 v32, v31  }
0x143: {  	v18 =	vadd.f32 v56, v19;
	v22 =	vshll.u32 v57, $0x3;
	v19 =	vbroadcast v20, $0x0  }
0x144: {  	v62 =	vadd.f32 v59, v58;
	v22 =	vor.u32 v16, v22;
	v63 =	vadd.f32 v61, v60  }
0x145: {  	v19 =	vor.u32 v19, v22  }
0x146: {  	v17 =	vadd.f32 v18, v17;
	v18 =	vadd.f32 v63, v62;
	_ =	sdelay $0x1  }
0x147: {  	s20 =	sadd.s32 $0x1, s20;
	v17 =	vadd.f32 v18, v17  }
0x148: {  	p0 =	sne.s32 s20, s8  }
.Ltmp2:
0x149: {  	[tilespmem:v19+s19+$0x0] =	vst.idx.msk $0xffff, v17;
	(pc) =	sbr.rel @p0 .LBB2_1-.Ltmp2, $4  }
0x14a: {  	[hbm4b:s7+s4] =	stream.linear.scatter [tilespmem:s19], [sflag:$0x7], $0x400, $0x38;
	[tilespmem:$0x1AF00] =	vst v63  }
0x14b: {  	_ =	swait.ge [sflag:s9], $0x400  }
0x14c: {  	[sflag:s9] =	ssyncset.done $0x0  }
0x14d: {  	[sflag:s9] =	ssyncadd.s32 $0xFFFFFC00  }
0x14e: {  	_ =	sfence.sel $0x180000  }
0x14f: {  	[bflag:$0x0] =	sbarrier.arrive $0xFFFF  }
0x150: {  	p0 =	sne.s32 s3, $0x0;
	_ =	strace $0x90000047  }
0x151: {  	s0 =	sadd.s32 @!p0 $0x100000, s0;
	[bflag:$0x2] =	sbarrier.arrive $0xFFFF  }
0x152: {  	[sflag:s0] =	ssyncadd.tile.s32 @!p0 $0x1;
	_ =	shalt  }
.Lfunc_end2:
_tile_overlayer_lowered:
.L_overlay_start_2:
0x153: {  	(tag) =	ssettag $0x2  }
0x154: {  	s0 =	rddreg [dreg:$0x0];
	s2 =	stileid.u32  }
0x155: {  	s1 =	rddreg [dreg:$0x1];
	p0 =	sne.s32 s2, $0x0  }
0x156: {  	s3 =	rddreg [dreg:$0x2];
	[bflag:$0x3] =	sbarrier.arrive $0xFFFF;
	s2 =	simm.s32 @!p0 $0x1C07  }
0x157: {  	[timem:s3], [sflag:s2] =	dma.local @!p0 [hbm:s0], s1  }
0x158: {  	s0 =	simm.s32 @!p0 $0x7  }
0x159: {  	_ =	swait.ge @!p0 [sflag:s0], s1  }
0x15a: {  	s1 =	ssub.s32 @!p0 $0x0, s1;
	[sflag:s0] =	ssyncset.done @!p0 $0x0  }
0x15b: {  	[sflag:s0] =	ssyncadd.s32 @!p0 s1  }
0x15c: {  	[bflag:$0x3] =	sbarrier.arrive $0xFFFF  }
0x15d: {  	_ =	shalt  }

</sc_bundles>
